<compile_context>
chip_gen: v7x
topology: tpu7x:2x2x1
jax: 0.10.2.dev20260603
libtpu: 0.0.44.dev20260713+nightly
codegen_flags: <defaults>
</compile_context>

<pallas_src>
import functools

import jax
import jax.numpy as jnp
from jax import lax
from jax.experimental import pallas as pl
from jax.experimental.pallas import tpu as pltpu
from jax.experimental.pallas import tpu_sc as plsc

N = 10000
E = 320000
D = 128
DG = 16

NC = 2
NS = 16
NW = NC * NS
EPW = E // NW
CHUNK = 80
NCHUNK = EPW // CHUNK
PHA = 63
PHB = NCHUNK - PHA

RPS = 640


def _sc_agg_body(x_hbm, src_hbm, dst_hbm, outf_hbm, outd_hbm,
                 acc_sh, deg_sh, src_v, dst_v, rows0_v, rows1_v, ones_v,
                 g0, g1, d0, d1):
    c = lax.axis_index("c")
    s = lax.axis_index("s")
    wid = c * NS + s

    pltpu.sync_copy(src_hbm.at[wid], src_v)
    pltpu.sync_copy(dst_hbm.at[wid, pl.ds(0, PHA)], dst_v)

    zvec = jnp.zeros((16,), jnp.float32)

    def zero_row(r, _):
        for j in range(D // 16):
            rows0_v[r, pl.ds(j * 16, 16)] = zvec
        ones_v[r, :] = zvec
        return 0

    lax.fori_loop(0, CHUNK, zero_row, 0)
    for z in range(RPS // CHUNK):
        r0 = s * RPS + z * CHUNK

        def zfill(r0=r0):
            pltpu.sync_copy(rows0_v, acc_sh.at[pl.ds(r0, CHUNK)])
            pltpu.sync_copy(ones_v, deg_sh.at[pl.ds(r0, CHUNK)])

        if z < 5:
            zfill()
        else:
            pl.when(s < NS - 1)(zfill)

    ovec = jnp.ones((16,), jnp.float32)

    def ones_row(r, _):
        ones_v[r, :] = ovec
        return 0

    lax.fori_loop(0, CHUNK, ones_row, 0)
    plsc.subcore_barrier()

    def start_gather(k, buf, sem):
        pltpu.async_copy(x_hbm.at[src_v.at[pl.ds(k * CHUNK, CHUNK)]],
                         buf, sem)

    def wait_gather(k, buf, sem):
        pltpu.make_async_copy(x_hbm.at[src_v.at[pl.ds(k * CHUNK, CHUNK)]],
                              buf, sem).wait()

    def scatter(kl, buf):
        pltpu.sync_copy(buf, acc_sh.at[dst_v.at[kl]], add=True)

    def start_deg(kl, sem):
        pltpu.async_copy(ones_v, deg_sh.at[dst_v.at[kl]], sem, add=True)

    def wait_deg(kl, sem):
        pltpu.make_async_copy(ones_v, deg_sh.at[dst_v.at[kl]], sem).wait()

    start_gather(0, rows0_v, g0)

    def pair_a(p, _):
        k0 = 2 * p
        start_gather(k0 + 1, rows1_v, g1)
        wait_gather(k0, rows0_v, g0)
        scatter(k0, rows0_v)

        @pl.when(k0 >= 2)
        def _():
            wait_deg(k0 - 2, d0)

        start_deg(k0, d0)
        start_gather(k0 + 2, rows0_v, g0)
        wait_gather(k0 + 1, rows1_v, g1)
        scatter(k0 + 1, rows1_v)

        @pl.when(k0 >= 1)
        def _():
            wait_deg(k0 - 1, d1)

        start_deg(k0 + 1, d1)
        return 0

    lax.fori_loop(0, PHA // 2, pair_a, 0)
    wait_gather(PHA - 1, rows0_v, g0)
    scatter(PHA - 1, rows0_v)
    wait_deg(PHA - 3, d0)
    start_deg(PHA - 1, d0)

    wait_deg(0, d0)
    wait_deg(0, d1)
    pltpu.sync_copy(dst_hbm.at[wid, pl.ds(PHA, PHB)],
                    dst_v.at[pl.ds(0, PHB)])

    start_gather(PHA, rows1_v, g1)

    def pair_b(p, _):
        k0 = 2 * p
        start_gather(PHA + k0 + 1, rows0_v, g0)
        wait_gather(PHA + k0, rows1_v, g1)
        scatter(k0, rows1_v)

        @pl.when(k0 >= 2)
        def _():
            wait_deg(k0 - 2, d0)

        start_deg(k0, d0)

        @pl.when(k0 + 2 < PHB)
        def _():
            start_gather(PHA + k0 + 2, rows1_v, g1)

        wait_gather(PHA + k0 + 1, rows0_v, g0)
        scatter(k0 + 1, rows0_v)

        @pl.when(k0 >= 1)
        def _():
            wait_deg(k0 - 1, d1)

        start_deg(k0 + 1, d1)
        return 0

    lax.fori_loop(0, PHB // 2, pair_b, 0)
    wait_deg(0, d0)
    wait_deg(0, d1)
    plsc.subcore_barrier()

    for z in range(RPS // CHUNK):
        r0 = s * RPS + z * CHUNK

        def wb(r0=r0):
            pltpu.sync_copy(acc_sh.at[pl.ds(r0, CHUNK)],
                            outf_hbm.at[c, pl.ds(r0, CHUNK)])
            pltpu.sync_copy(deg_sh.at[pl.ds(r0, CHUNK)],
                            outd_hbm.at[c, pl.ds(r0, CHUNK)])

        if z < 5:
            wb()
        else:
            pl.when(s < NS - 1)(wb)


_sc_agg = functools.partial(
    pl.kernel,
    out_type=(jax.ShapeDtypeStruct((NC, N, D), jnp.float32),
              jax.ShapeDtypeStruct((NC, N, DG), jnp.float32)),
    mesh=plsc.VectorSubcoreMesh(core_axis_name="c", subcore_axis_name="s"),
    scratch_types=[
        pltpu.VMEM_SHARED((N, D), jnp.float32),
        pltpu.VMEM_SHARED((N, DG), jnp.float32),
        pltpu.VMEM((EPW,), jnp.int32),
        pltpu.VMEM((PHA, CHUNK), jnp.int32),
        pltpu.VMEM((CHUNK, D), jnp.float32),
        pltpu.VMEM((CHUNK, D), jnp.float32),
        pltpu.VMEM((CHUNK, DG), jnp.float32),
        pltpu.SemaphoreType.DMA,
        pltpu.SemaphoreType.DMA,
        pltpu.SemaphoreType.DMA,
        pltpu.SemaphoreType.DMA,
    ],
    compiler_params=pltpu.CompilerParams(use_tc_tiling_on_sc=False),
)(_sc_agg_body)


BLK = 2000


def _tc_body(p_ref, d_ref, w_ref, o_ref):
    p = p_ref[...]
    dp = d_ref[...]
    t = p[0] + p[1]
    deg = dp[0, :, 0:1] + dp[1, :, 0:1]
    h = t / jnp.clip(deg, 1.0, None)
    o_ref[...] = jnp.dot(h, w_ref[...], preferred_element_type=jnp.float32)


def kernel(x, edge_index, W):
    src = edge_index[0].reshape(NW, EPW)
    dst = edge_index[1].reshape(NW, NCHUNK, CHUNK)
    partial, degp = _sc_agg(x, src, dst)
    z = pl.pallas_call(
        _tc_body,
        grid=(N // BLK,),
        in_specs=[
            pl.BlockSpec((NC, BLK, D), lambda i: (0, i, 0)),
            pl.BlockSpec((NC, BLK, DG), lambda i: (0, i, 0)),
            pl.BlockSpec((D, D), lambda i: (0, 0)),
        ],
        out_specs=pl.BlockSpec((BLK, D), lambda i: (i, 0)),
        out_shape=jax.ShapeDtypeStruct((N, D), jnp.float32),
    )(partial, degp, W)
    return z

# --- scband reference (transcript-rebuilt; emitter-appended) ---
"""Pipeline reference for scband-sageconv-agg-38182259261671 (READ-ONLY COPY).

The authoritative reference and input builder live on the scoring server;
editing this copy changes nothing except your own understanding.
"""

import jax, jax.numpy as jnp
import numpy as np

N = 10000
E = 320000
D = 128

def setup_inputs(seed: int = 0) -> dict:
    key = jax.random.key(seed)
    k1, k2, k3 = jax.random.split(key, 3)
    x = jax.random.normal(k1, (N, D), dtype=jnp.float32)
    edge_index = jax.random.randint(k2, (2, E), 0, N, dtype=jnp.int32)
    W = jax.random.normal(k3, (D, D), dtype=jnp.float32) * (1.0 / np.sqrt(D))
    return {"x": x, "edge_index": edge_index, "W": W}

def reference(x, edge_index, W):
    # SAGEConvAgg: sparse adj @ features (mean aggregation over in-neighbors),
    # followed by the dense weight multiply done in SAGEConvAggFn.forward
    # (broad_func_2d = SpMM aggregation; broad_func_2d_loc = z @ weight).
    src = edge_index[0]
    dst = edge_index[1]
    msgs = jnp.take(x, src, axis=0)                                  # gather src features per edge
    agg = jax.ops.segment_sum(msgs, dst, num_segments=N)             # scatter-add to dst nodes
    deg = jax.ops.segment_sum(jnp.ones((E,), dtype=x.dtype), dst, num_segments=N)
    h_neigh = agg / jnp.clip(deg, 1.0, None)[:, None]                # aggregator_type='mean'
    z = h_neigh @ W                                                  # local dense weight apply
    return z

if __name__ == "__main__":
    import jax
    _d = setup_inputs()
    print(jax.jit(kernel)(*tuple(_d.values())))

</pallas_src>

<mosaic_0001>
#map = affine_map<(d0, d1) -> (0, 0)>
#map1 = affine_map<(d0, d1) -> (0, 0, 0)>
module attributes {stable_mosaic.version = 14 : i64} {
  func.func @_sc_agg_body(%arg0: i32, %arg1: i32, %arg2: memref<10000x128xf32, #tpu.memory_space<hbm>>, %arg3: memref<32x10000xi32, #tpu.memory_space<hbm>>, %arg4: memref<32x125x80xi32, #tpu.memory_space<hbm>>, %arg5: memref<2x10000x128xf32, #tpu.memory_space<hbm>>, %arg6: memref<2x10000x16xf32, #tpu.memory_space<hbm>>, %arg7: memref<10000x128xf32, #tpu.memory_space<vmem_shared>>, %arg8: memref<10000x16xf32, #tpu.memory_space<vmem_shared>>, %arg9: memref<10000xi32, #tpu.memory_space<vmem>>, %arg10: memref<63x80xi32, #tpu.memory_space<vmem>>, %arg11: memref<80x128xf32, #tpu.memory_space<vmem>>, %arg12: memref<80x128xf32, #tpu.memory_space<vmem>>, %arg13: memref<80x16xf32, #tpu.memory_space<vmem>>, %arg14: memref<!tpu.dma_semaphore, #tpu.memory_space<semaphore_mem>>, %arg15: memref<!tpu.dma_semaphore, #tpu.memory_space<semaphore_mem>>, %arg16: memref<!tpu.dma_semaphore, #tpu.memory_space<semaphore_mem>>, %arg17: memref<!tpu.dma_semaphore, #tpu.memory_space<semaphore_mem>>) attributes {dimension_semantics = [#tpu.dimension_semantics<core_parallel>, #tpu.dimension_semantics<subcore_parallel>], iteration_bounds = array<i64: 2, 16>, scalar_prefetch = 0 : i64, scratch_operands = 11 : i64, tpu.core_type = #tpu.core_type<sc_vector_subcore>, window_params = [{transform_indices = #map}, {transform_indices = #map}, {transform_indices = #map1}, {transform_indices = #map1}, {transform_indices = #map1}]} {
    %mul3A = arith.constant 16 : i32
    %mul3A_0 = arith.muli %arg0, %mul3A : i32
    %add3A = arith.addi %mul3A_0, %arg1 : i32
    "tpu.region"() ({
      %run_scoped3A_178 = tpu.sem_alloc : memref<!tpu.dma_semaphore, #tpu.memory_space<semaphore_mem>>
      %dma_start3A_179 = arith.constant 0 : i32
      %dma_start3A_180 = tpu.memref_slice %arg3[%add3A, %dma_start3A_179] : memref<32x10000xi32, #tpu.memory_space<hbm>> -> memref<1x10000xi32, #tpu.memory_space<hbm>>
      %dma_start3A_181 = tpu.memref_squeeze %dma_start3A_180 : memref<1x10000xi32, #tpu.memory_space<hbm>> -> memref<10000xi32, #tpu.memory_space<hbm>>
      %dma_start3A_182 = arith.constant 0 : i32
      %dma_start3A_183 = tpu.memref_slice %arg3[%add3A, %dma_start3A_182] : memref<32x10000xi32, #tpu.memory_space<hbm>> -> memref<1x10000xi32, #tpu.memory_space<hbm>>
      %dma_start3A_184 = tpu.memref_squeeze %dma_start3A_183 : memref<1x10000xi32, #tpu.memory_space<hbm>> -> memref<10000xi32, #tpu.memory_space<hbm>>
      tpu.enqueue_dma source(%dma_start3A_184 : memref<10000xi32, #tpu.memory_space<hbm>>) target(%arg9 : memref<10000xi32, #tpu.memory_space<vmem>>) target_semaphore(%run_scoped3A_178 : memref<!tpu.dma_semaphore, #tpu.memory_space<semaphore_mem>>)
      %dma_wait3A_185 = arith.constant 0 : i32
      %dma_wait3A_186 = tpu.memref_slice %arg3[%add3A, %dma_wait3A_185] : memref<32x10000xi32, #tpu.memory_space<hbm>> -> memref<1x10000xi32, #tpu.memory_space<hbm>>
      %dma_wait3A_187 = tpu.memref_squeeze %dma_wait3A_186 : memref<1x10000xi32, #tpu.memory_space<hbm>> -> memref<10000xi32, #tpu.memory_space<hbm>>
      %dma_wait3A_188 = arith.constant 0 : i32
      %dma_wait3A_189 = tpu.memref_slice %arg3[%add3A, %dma_wait3A_188] : memref<32x10000xi32, #tpu.memory_space<hbm>> -> memref<1x10000xi32, #tpu.memory_space<hbm>>
      %dma_wait3A_190 = tpu.memref_squeeze %dma_wait3A_189 : memref<1x10000xi32, #tpu.memory_space<hbm>> -> memref<10000xi32, #tpu.memory_space<hbm>>
      tpu.wait_dma2 semaphore(%run_scoped3A_178 : memref<!tpu.dma_semaphore, #tpu.memory_space<semaphore_mem>>) src(%dma_wait3A_190 : memref<10000xi32, #tpu.memory_space<hbm>>) dst(%arg9 : memref<10000xi32, #tpu.memory_space<vmem>>)
      tpu.yield
    }) : () -> ()
    "tpu.region"() ({
      %run_scoped3A_178 = tpu.sem_alloc : memref<!tpu.dma_semaphore, #tpu.memory_space<semaphore_mem>>
      %dma_start3A_179 = arith.constant 0 : i32
      %dma_start3A_180 = arith.constant 0 : i32
      %dma_start3A_181 = tpu.memref_slice %arg4[%add3A, %dma_start3A_179, %dma_start3A_180] : memref<32x125x80xi32, #tpu.memory_space<hbm>> -> memref<1x63x80xi32, #tpu.memory_space<hbm>>
      %dma_start3A_182 = tpu.memref_squeeze %dma_start3A_181 : memref<1x63x80xi32, #tpu.memory_space<hbm>> -> memref<63x80xi32, #tpu.memory_space<hbm>>
      %dma_start3A_183 = arith.constant 0 : i32
      %dma_start3A_184 = arith.constant 0 : i32
      %dma_start3A_185 = tpu.memref_slice %arg4[%add3A, %dma_start3A_183, %dma_start3A_184] : memref<32x125x80xi32, #tpu.memory_space<hbm>> -> memref<1x63x80xi32, #tpu.memory_space<hbm>>
      %dma_start3A_186 = tpu.memref_squeeze %dma_start3A_185 : memref<1x63x80xi32, #tpu.memory_space<hbm>> -> memref<63x80xi32, #tpu.memory_space<hbm>>
      tpu.enqueue_dma source(%dma_start3A_186 : memref<63x80xi32, #tpu.memory_space<hbm>>) target(%arg10 : memref<63x80xi32, #tpu.memory_space<vmem>>) target_semaphore(%run_scoped3A_178 : memref<!tpu.dma_semaphore, #tpu.memory_space<semaphore_mem>>)
      %dma_wait3A_187 = arith.constant 0 : i32
      %dma_wait3A_188 = arith.constant 0 : i32
      %dma_wait3A_189 = tpu.memref_slice %arg4[%add3A, %dma_wait3A_187, %dma_wait3A_188] : memref<32x125x80xi32, #tpu.memory_space<hbm>> -> memref<1x63x80xi32, #tpu.memory_space<hbm>>
      %dma_wait3A_190 = tpu.memref_squeeze %dma_wait3A_189 : memref<1x63x80xi32, #tpu.memory_space<hbm>> -> memref<63x80xi32, #tpu.memory_space<hbm>>
      %dma_wait3A_191 = arith.constant 0 : i32
      %dma_wait3A_192 = arith.constant 0 : i32
      %dma_wait3A_193 = tpu.memref_slice %arg4[%add3A, %dma_wait3A_191, %dma_wait3A_192] : memref<32x125x80xi32, #tpu.memory_space<hbm>> -> memref<1x63x80xi32, #tpu.memory_space<hbm>>
      %dma_wait3A_194 = tpu.memref_squeeze %dma_wait3A_193 : memref<1x63x80xi32, #tpu.memory_space<hbm>> -> memref<63x80xi32, #tpu.memory_space<hbm>>
      tpu.wait_dma2 semaphore(%run_scoped3A_178 : memref<!tpu.dma_semaphore, #tpu.memory_space<semaphore_mem>>) src(%dma_wait3A_194 : memref<63x80xi32, #tpu.memory_space<hbm>>) dst(%arg10 : memref<63x80xi32, #tpu.memory_space<vmem>>)
      tpu.yield
    }) : () -> ()
    %broadcast_in_dim3A = arith.constant 0.000000e+00 : f32
    %broadcast_in_dim3A_1 = vector.broadcast %broadcast_in_dim3A : f32 to vector<16xf32>
    %scan3A = arith.constant 0 : i32
    %scan3A_2 = arith.constant 0 : i32
    %scan3A_3 = arith.constant 80 : i32
    %scan3A_4 = arith.addi %scan3A_2, %scan3A_3 : i32
    %scan3A_5 = arith.constant 1 : i32
    %scan3A_6 = scf.for %scan3A_178 = %scan3A_2 to %scan3A_4 step %scan3A_5 iter_args(%scan3A_179 = %scan3A) -> (i32)  : i32 {
      %swap3A = arith.index_cast %scan3A_178 : i32 to index
      %swap3A_180 = arith.constant 0 : index
      %swap3A_181 = tpu.vector_load %arg11[%swap3A, %swap3A_180] {strides = array<i32>} : memref<80x128xf32, #tpu.memory_space<vmem>>, vector<1x16xf32>,
      %swap3A_182 = vector.shape_cast %swap3A_181 : vector<1x16xf32> to vector<16xf32>
      %swap3A_183 = vector.shape_cast %broadcast_in_dim3A_1 : vector<16xf32> to vector<1x16xf32>
      tpu.vector_store %arg11[%swap3A, %swap3A_180], %swap3A_183 {strides = array<i32>} : memref<80x128xf32, #tpu.memory_space<vmem>>, vector<1x16xf32>,
      %swap3A_184 = arith.index_cast %scan3A_178 : i32 to index
      %swap3A_185 = arith.constant 16 : index
      %swap3A_186 = tpu.vector_load %arg11[%swap3A_184, %swap3A_185] {strides = array<i32>} : memref<80x128xf32, #tpu.memory_space<vmem>>, vector<1x16xf32>,
      %swap3A_187 = vector.shape_cast %swap3A_186 : vector<1x16xf32> to vector<16xf32>
      %swap3A_188 = vector.shape_cast %broadcast_in_dim3A_1 : vector<16xf32> to vector<1x16xf32>
      tpu.vector_store %arg11[%swap3A_184, %swap3A_185], %swap3A_188 {strides = array<i32>} : memref<80x128xf32, #tpu.memory_space<vmem>>, vector<1x16xf32>,
      %swap3A_189 = arith.index_cast %scan3A_178 : i32 to index
      %swap3A_190 = arith.constant 32 : index
      %swap3A_191 = tpu.vector_load %arg11[%swap3A_189, %swap3A_190] {strides = array<i32>} : memref<80x128xf32, #tpu.memory_space<vmem>>, vector<1x16xf32>,
      %swap3A_192 = vector.shape_cast %swap3A_191 : vector<1x16xf32> to vector<16xf32>
      %swap3A_193 = vector.shape_cast %broadcast_in_dim3A_1 : vector<16xf32> to vector<1x16xf32>
      tpu.vector_store %arg11[%swap3A_189, %swap3A_190], %swap3A_193 {strides = array<i32>} : memref<80x128xf32, #tpu.memory_space<vmem>>, vector<1x16xf32>,
      %swap3A_194 = arith.index_cast %scan3A_178 : i32 to index
      %swap3A_195 = arith.constant 48 : index
      %swap3A_196 = tpu.vector_load %arg11[%swap3A_194, %swap3A_195] {strides = array<i32>} : memref<80x128xf32, #tpu.memory_space<vmem>>, vector<1x16xf32>,
      %swap3A_197 = vector.shape_cast %swap3A_196 : vector<1x16xf32> to vector<16xf32>
      %swap3A_198 = vector.shape_cast %broadcast_in_dim3A_1 : vector<16xf32> to vector<1x16xf32>
      tpu.vector_store %arg11[%swap3A_194, %swap3A_195], %swap3A_198 {strides = array<i32>} : memref<80x128xf32, #tpu.memory_space<vmem>>, vector<1x16xf32>,
      %swap3A_199 = arith.index_cast %scan3A_178 : i32 to index
      %swap3A_200 = arith.constant 64 : index
      %swap3A_201 = tpu.vector_load %arg11[%swap3A_199, %swap3A_200] {strides = array<i32>} : memref<80x128xf32, #tpu.memory_space<vmem>>, vector<1x16xf32>,
      %swap3A_202 = vector.shape_cast %swap3A_201 : vector<1x16xf32> to vector<16xf32>
      %swap3A_203 = vector.shape_cast %broadcast_in_dim3A_1 : vector<16xf32> to vector<1x16xf32>
      tpu.vector_store %arg11[%swap3A_199, %swap3A_200], %swap3A_203 {strides = array<i32>} : memref<80x128xf32, #tpu.memory_space<vmem>>, vector<1x16xf32>,
      %swap3A_204 = arith.index_cast %scan3A_178 : i32 to index
      %swap3A_205 = arith.constant 80 : index
      %swap3A_206 = tpu.vector_load %arg11[%swap3A_204, %swap3A_205] {strides = array<i32>} : memref<80x128xf32, #tpu.memory_space<vmem>>, vector<1x16xf32>,
      %swap3A_207 = vector.shape_cast %swap3A_206 : vector<1x16xf32> to vector<16xf32>
      %swap3A_208 = vector.shape_cast %broadcast_in_dim3A_1 : vector<16xf32> to vector<1x16xf32>
      tpu.vector_store %arg11[%swap3A_204, %swap3A_205], %swap3A_208 {strides = array<i32>} : memref<80x128xf32, #tpu.memory_space<vmem>>, vector<1x16xf32>,
      %swap3A_209 = arith.index_cast %scan3A_178 : i32 to index
      %swap3A_210 = arith.constant 96 : index
      %swap3A_211 = tpu.vector_load %arg11[%swap3A_209, %swap3A_210] {strides = array<i32>} : memref<80x128xf32, #tpu.memory_space<vmem>>, vector<1x16xf32>,
      %swap3A_212 = vector.shape_cast %swap3A_211 : vector<1x16xf32> to vector<16xf32>
      %swap3A_213 = vector.shape_cast %broadcast_in_dim3A_1 : vector<16xf32> to vector<1x16xf32>
      tpu.vector_store %arg11[%swap3A_209, %swap3A_210], %swap3A_213 {strides = array<i32>} : memref<80x128xf32, #tpu.memory_space<vmem>>, vector<1x16xf32>,
      %swap3A_214 = arith.index_cast %scan3A_178 : i32 to index
      %swap3A_215 = arith.constant 112 : index
      %swap3A_216 = tpu.vector_load %arg11[%swap3A_214, %swap3A_215] {strides = array<i32>} : memref<80x128xf32, #tpu.memory_space<vmem>>, vector<1x16xf32>,
      %swap3A_217 = vector.shape_cast %swap3A_216 : vector<1x16xf32> to vector<16xf32>
      %swap3A_218 = vector.shape_cast %broadcast_in_dim3A_1 : vector<16xf32> to vector<1x16xf32>
      tpu.vector_store %arg11[%swap3A_214, %swap3A_215], %swap3A_218 {strides = array<i32>} : memref<80x128xf32, #tpu.memory_space<vmem>>, vector<1x16xf32>,
      %swap3A_219 = arith.index_cast %scan3A_178 : i32 to index
      %swap3A_220 = arith.constant 0 : index
      %swap3A_221 = tpu.vector_load %arg13[%swap3A_219, %swap3A_220] {strides = array<i32>} : memref<80x16xf32, #tpu.memory_space<vmem>>, vector<1x16xf32>,
      %swap3A_222 = vector.shape_cast %swap3A_221 : vector<1x16xf32> to vector<16xf32>
      %swap3A_223 = vector.shape_cast %broadcast_in_dim3A_1 : vector<16xf32> to vector<1x16xf32>
      tpu.vector_store %arg13[%swap3A_219, %swap3A_220], %swap3A_223 {strides = array<i32>} : memref<80x16xf32, #tpu.memory_space<vmem>>, vector<1x16xf32>,
      %scan3A_224 = arith.constant 0 : i32
      scf.yield %scan3A_224 : i32
    }
    %scan3A_7 = arith.constant 80 : i32
    %mul3A_8 = arith.constant 640 : i32
    %mul3A_9 = arith.muli %arg1, %mul3A_8 : i32
    %add3A_10 = arith.constant 0 : i32
    %add3A_11 = arith.addi %mul3A_9, %add3A_10 : i32
    "tpu.region"() ({
      %run_scoped3A_178 = tpu.sem_alloc : memref<!tpu.dma_semaphore, #tpu.memory_space<semaphore_mem>>
      %dma_start3A_179 = arith.constant 0 : i32
      %dma_start3A_180 = tpu.memref_slice %arg7[%add3A_11, %dma_start3A_179] : memref<10000x128xf32, #tpu.memory_space<vmem_shared>> -> memref<80x128xf32, #tpu.memory_space<vmem_shared>>
      %dma_start3A_181 = arith.constant 0 : i32
      %dma_start3A_182 = tpu.memref_slice %arg7[%add3A_11, %dma_start3A_181] : memref<10000x128xf32, #tpu.memory_space<vmem_shared>> -> memref<80x128xf32, #tpu.memory_space<vmem_shared>>
      tpu.enqueue_dma source(%arg11 : memref<80x128xf32, #tpu.memory_space<vmem>>) target(%dma_start3A_182 : memref<80x128xf32, #tpu.memory_space<vmem_shared>>) target_semaphore(%run_scoped3A_178 : memref<!tpu.dma_semaphore, #tpu.memory_space<semaphore_mem>>)
      %dma_wait3A_183 = arith.constant 0 : i32
      %dma_wait3A_184 = tpu.memref_slice %arg7[%add3A_11, %dma_wait3A_183] : memref<10000x128xf32, #tpu.memory_space<vmem_shared>> -> memref<80x128xf32, #tpu.memory_space<vmem_shared>>
      %dma_wait3A_185 = arith.constant 0 : i32
      %dma_wait3A_186 = tpu.memref_slice %arg7[%add3A_11, %dma_wait3A_185] : memref<10000x128xf32, #tpu.memory_space<vmem_shared>> -> memref<80x128xf32, #tpu.memory_space<vmem_shared>>
      tpu.wait_dma2 semaphore(%run_scoped3A_178 : memref<!tpu.dma_semaphore, #tpu.memory_space<semaphore_mem>>) src(%arg11 : memref<80x128xf32, #tpu.memory_space<vmem>>) dst(%dma_wait3A_186 : memref<80x128xf32, #tpu.memory_space<vmem_shared>>)
      tpu.yield
    }) : () -> ()
    "tpu.region"() ({
      %run_scoped3A_178 = tpu.sem_alloc : memref<!tpu.dma_semaphore, #tpu.memory_space<semaphore_mem>>
      %dma_start3A_179 = arith.constant 0 : i32
      %dma_start3A_180 = tpu.memref_slice %arg8[%add3A_11, %dma_start3A_179] : memref<10000x16xf32, #tpu.memory_space<vmem_shared>> -> memref<80x16xf32, #tpu.memory_space<vmem_shared>>
      %dma_start3A_181 = arith.constant 0 : i32
      %dma_start3A_182 = tpu.memref_slice %arg8[%add3A_11, %dma_start3A_181] : memref<10000x16xf32, #tpu.memory_space<vmem_shared>> -> memref<80x16xf32, #tpu.memory_space<vmem_shared>>
      tpu.enqueue_dma source(%arg13 : memref<80x16xf32, #tpu.memory_space<vmem>>) target(%dma_start3A_182 : memref<80x16xf32, #tpu.memory_space<vmem_shared>>) target_semaphore(%run_scoped3A_178 : memref<!tpu.dma_semaphore, #tpu.memory_space<semaphore_mem>>)
      %dma_wait3A_183 = arith.constant 0 : i32
      %dma_wait3A_184 = tpu.memref_slice %arg8[%add3A_11, %dma_wait3A_183] : memref<10000x16xf32, #tpu.memory_space<vmem_shared>> -> memref<80x16xf32, #tpu.memory_space<vmem_shared>>
      %dma_wait3A_185 = arith.constant 0 : i32
      %dma_wait3A_186 = tpu.memref_slice %arg8[%add3A_11, %dma_wait3A_185] : memref<10000x16xf32, #tpu.memory_space<vmem_shared>> -> memref<80x16xf32, #tpu.memory_space<vmem_shared>>
      tpu.wait_dma2 semaphore(%run_scoped3A_178 : memref<!tpu.dma_semaphore, #tpu.memory_space<semaphore_mem>>) src(%arg13 : memref<80x16xf32, #tpu.memory_space<vmem>>) dst(%dma_wait3A_186 : memref<80x16xf32, #tpu.memory_space<vmem_shared>>)
      tpu.yield
    }) : () -> ()
    %mul3A_12 = arith.constant 640 : i32
    %mul3A_13 = arith.muli %arg1, %mul3A_12 : i32
    %add3A_14 = arith.constant 80 : i32
    %add3A_15 = arith.addi %mul3A_13, %add3A_14 : i32
    "tpu.region"() ({
      %run_scoped3A_178 = tpu.sem_alloc : memref<!tpu.dma_semaphore, #tpu.memory_space<semaphore_mem>>
      %dma_start3A_179 = arith.constant 0 : i32
      %dma_start3A_180 = tpu.memref_slice %arg7[%add3A_15, %dma_start3A_179] : memref<10000x128xf32, #tpu.memory_space<vmem_shared>> -> memref<80x128xf32, #tpu.memory_space<vmem_shared>>
      %dma_start3A_181 = arith.constant 0 : i32
      %dma_start3A_182 = tpu.memref_slice %arg7[%add3A_15, %dma_start3A_181] : memref<10000x128xf32, #tpu.memory_space<vmem_shared>> -> memref<80x128xf32, #tpu.memory_space<vmem_shared>>
      tpu.enqueue_dma source(%arg11 : memref<80x128xf32, #tpu.memory_space<vmem>>) target(%dma_start3A_182 : memref<80x128xf32, #tpu.memory_space<vmem_shared>>) target_semaphore(%run_scoped3A_178 : memref<!tpu.dma_semaphore, #tpu.memory_space<semaphore_mem>>)
      %dma_wait3A_183 = arith.constant 0 : i32
      %dma_wait3A_184 = tpu.memref_slice %arg7[%add3A_15, %dma_wait3A_183] : memref<10000x128xf32, #tpu.memory_space<vmem_shared>> -> memref<80x128xf32, #tpu.memory_space<vmem_shared>>
      %dma_wait3A_185 = arith.constant 0 : i32
      %dma_wait3A_186 = tpu.memref_slice %arg7[%add3A_15, %dma_wait3A_185] : memref<10000x128xf32, #tpu.memory_space<vmem_shared>> -> memref<80x128xf32, #tpu.memory_space<vmem_shared>>
      tpu.wait_dma2 semaphore(%run_scoped3A_178 : memref<!tpu.dma_semaphore, #tpu.memory_space<semaphore_mem>>) src(%arg11 : memref<80x128xf32, #tpu.memory_space<vmem>>) dst(%dma_wait3A_186 : memref<80x128xf32, #tpu.memory_space<vmem_shared>>)
      tpu.yield
    }) : () -> ()
    "tpu.region"() ({
      %run_scoped3A_178 = tpu.sem_alloc : memref<!tpu.dma_semaphore, #tpu.memory_space<semaphore_mem>>
      %dma_start3A_179 = arith.constant 0 : i32
      %dma_start3A_180 = tpu.memref_slice %arg8[%add3A_15, %dma_start3A_179] : memref<10000x16xf32, #tpu.memory_space<vmem_shared>> -> memref<80x16xf32, #tpu.memory_space<vmem_shared>>
      %dma_start3A_181 = arith.constant 0 : i32
      %dma_start3A_182 = tpu.memref_slice %arg8[%add3A_15, %dma_start3A_181] : memref<10000x16xf32, #tpu.memory_space<vmem_shared>> -> memref<80x16xf32, #tpu.memory_space<vmem_shared>>
      tpu.enqueue_dma source(%arg13 : memref<80x16xf32, #tpu.memory_space<vmem>>) target(%dma_start3A_182 : memref<80x16xf32, #tpu.memory_space<vmem_shared>>) target_semaphore(%run_scoped3A_178 : memref<!tpu.dma_semaphore, #tpu.memory_space<semaphore_mem>>)
      %dma_wait3A_183 = arith.constant 0 : i32
      %dma_wait3A_184 = tpu.memref_slice %arg8[%add3A_15, %dma_wait3A_183] : memref<10000x16xf32, #tpu.memory_space<vmem_shared>> -> memref<80x16xf32, #tpu.memory_space<vmem_shared>>
      %dma_wait3A_185 = arith.constant 0 : i32
      %dma_wait3A_186 = tpu.memref_slice %arg8[%add3A_15, %dma_wait3A_185] : memref<10000x16xf32, #tpu.memory_space<vmem_shared>> -> memref<80x16xf32, #tpu.memory_space<vmem_shared>>
      tpu.wait_dma2 semaphore(%run_scoped3A_178 : memref<!tpu.dma_semaphore, #tpu.memory_space<semaphore_mem>>) src(%arg13 : memref<80x16xf32, #tpu.memory_space<vmem>>) dst(%dma_wait3A_186 : memref<80x16xf32, #tpu.memory_space<vmem_shared>>)
      tpu.yield
    }) : () -> ()
    %mul3A_16 = arith.constant 640 : i32
    %mul3A_17 = arith.muli %arg1, %mul3A_16 : i32
    %add3A_18 = arith.constant 160 : i32
    %add3A_19 = arith.addi %mul3A_17, %add3A_18 : i32
    "tpu.region"() ({
      %run_scoped3A_178 = tpu.sem_alloc : memref<!tpu.dma_semaphore, #tpu.memory_space<semaphore_mem>>
      %dma_start3A_179 = arith.constant 0 : i32
      %dma_start3A_180 = tpu.memref_slice %arg7[%add3A_19, %dma_start3A_179] : memref<10000x128xf32, #tpu.memory_space<vmem_shared>> -> memref<80x128xf32, #tpu.memory_space<vmem_shared>>
      %dma_start3A_181 = arith.constant 0 : i32
      %dma_start3A_182 = tpu.memref_slice %arg7[%add3A_19, %dma_start3A_181] : memref<10000x128xf32, #tpu.memory_space<vmem_shared>> -> memref<80x128xf32, #tpu.memory_space<vmem_shared>>
      tpu.enqueue_dma source(%arg11 : memref<80x128xf32, #tpu.memory_space<vmem>>) target(%dma_start3A_182 : memref<80x128xf32, #tpu.memory_space<vmem_shared>>) target_semaphore(%run_scoped3A_178 : memref<!tpu.dma_semaphore, #tpu.memory_space<semaphore_mem>>)
      %dma_wait3A_183 = arith.constant 0 : i32
      %dma_wait3A_184 = tpu.memref_slice %arg7[%add3A_19, %dma_wait3A_183] : memref<10000x128xf32, #tpu.memory_space<vmem_shared>> -> memref<80x128xf32, #tpu.memory_space<vmem_shared>>
      %dma_wait3A_185 = arith.constant 0 : i32
      %dma_wait3A_186 = tpu.memref_slice %arg7[%add3A_19, %dma_wait3A_185] : memref<10000x128xf32, #tpu.memory_space<vmem_shared>> -> memref<80x128xf32, #tpu.memory_space<vmem_shared>>
      tpu.wait_dma2 semaphore(%run_scoped3A_178 : memref<!tpu.dma_semaphore, #tpu.memory_space<semaphore_mem>>) src(%arg11 : memref<80x128xf32, #tpu.memory_space<vmem>>) dst(%dma_wait3A_186 : memref<80x128xf32, #tpu.memory_space<vmem_shared>>)
      tpu.yield
    }) : () -> ()
    "tpu.region"() ({
      %run_scoped3A_178 = tpu.sem_alloc : memref<!tpu.dma_semaphore, #tpu.memory_space<semaphore_mem>>
      %dma_start3A_179 = arith.constant 0 : i32
      %dma_start3A_180 = tpu.memref_slice %arg8[%add3A_19, %dma_start3A_179] : memref<10000x16xf32, #tpu.memory_space<vmem_shared>> -> memref<80x16xf32, #tpu.memory_space<vmem_shared>>
      %dma_start3A_181 = arith.constant 0 : i32
      %dma_start3A_182 = tpu.memref_slice %arg8[%add3A_19, %dma_start3A_181] : memref<10000x16xf32, #tpu.memory_space<vmem_shared>> -> memref<80x16xf32, #tpu.memory_space<vmem_shared>>
      tpu.enqueue_dma source(%arg13 : memref<80x16xf32, #tpu.memory_space<vmem>>) target(%dma_start3A_182 : memref<80x16xf32, #tpu.memory_space<vmem_shared>>) target_semaphore(%run_scoped3A_178 : memref<!tpu.dma_semaphore, #tpu.memory_space<semaphore_mem>>)
      %dma_wait3A_183 = arith.constant 0 : i32
      %dma_wait3A_184 = tpu.memref_slice %arg8[%add3A_19, %dma_wait3A_183] : memref<10000x16xf32, #tpu.memory_space<vmem_shared>> -> memref<80x16xf32, #tpu.memory_space<vmem_shared>>
      %dma_wait3A_185 = arith.constant 0 : i32
      %dma_wait3A_186 = tpu.memref_slice %arg8[%add3A_19, %dma_wait3A_185] : memref<10000x16xf32, #tpu.memory_space<vmem_shared>> -> memref<80x16xf32, #tpu.memory_space<vmem_shared>>
      tpu.wait_dma2 semaphore(%run_scoped3A_178 : memref<!tpu.dma_semaphore, #tpu.memory_space<semaphore_mem>>) src(%arg13 : memref<80x16xf32, #tpu.memory_space<vmem>>) dst(%dma_wait3A_186 : memref<80x16xf32, #tpu.memory_space<vmem_shared>>)
      tpu.yield
    }) : () -> ()
    %mul3A_20 = arith.constant 640 : i32
    %mul3A_21 = arith.muli %arg1, %mul3A_20 : i32
    %add3A_22 = arith.constant 240 : i32
    %add3A_23 = arith.addi %mul3A_21, %add3A_22 : i32
    "tpu.region"() ({
      %run_scoped3A_178 = tpu.sem_alloc : memref<!tpu.dma_semaphore, #tpu.memory_space<semaphore_mem>>
      %dma_start3A_179 = arith.constant 0 : i32
      %dma_start3A_180 = tpu.memref_slice %arg7[%add3A_23, %dma_start3A_179] : memref<10000x128xf32, #tpu.memory_space<vmem_shared>> -> memref<80x128xf32, #tpu.memory_space<vmem_shared>>
      %dma_start3A_181 = arith.constant 0 : i32
      %dma_start3A_182 = tpu.memref_slice %arg7[%add3A_23, %dma_start3A_181] : memref<10000x128xf32, #tpu.memory_space<vmem_shared>> -> memref<80x128xf32, #tpu.memory_space<vmem_shared>>
      tpu.enqueue_dma source(%arg11 : memref<80x128xf32, #tpu.memory_space<vmem>>) target(%dma_start3A_182 : memref<80x128xf32, #tpu.memory_space<vmem_shared>>) target_semaphore(%run_scoped3A_178 : memref<!tpu.dma_semaphore, #tpu.memory_space<semaphore_mem>>)
      %dma_wait3A_183 = arith.constant 0 : i32
      %dma_wait3A_184 = tpu.memref_slice %arg7[%add3A_23, %dma_wait3A_183] : memref<10000x128xf32, #tpu.memory_space<vmem_shared>> -> memref<80x128xf32, #tpu.memory_space<vmem_shared>>
      %dma_wait3A_185 = arith.constant 0 : i32
      %dma_wait3A_186 = tpu.memref_slice %arg7[%add3A_23, %dma_wait3A_185] : memref<10000x128xf32, #tpu.memory_space<vmem_shared>> -> memref<80x128xf32, #tpu.memory_space<vmem_shared>>
      tpu.wait_dma2 semaphore(%run_scoped3A_178 : memref<!tpu.dma_semaphore, #tpu.memory_space<semaphore_mem>>) src(%arg11 : memref<80x128xf32, #tpu.memory_space<vmem>>) dst(%dma_wait3A_186 : memref<80x128xf32, #tpu.memory_space<vmem_shared>>)
      tpu.yield
    }) : () -> ()
    "tpu.region"() ({
      %run_scoped3A_178 = tpu.sem_alloc : memref<!tpu.dma_semaphore, #tpu.memory_space<semaphore_mem>>
      %dma_start3A_179 = arith.constant 0 : i32
      %dma_start3A_180 = tpu.memref_slice %arg8[%add3A_23, %dma_start3A_179] : memref<10000x16xf32, #tpu.memory_space<vmem_shared>> -> memref<80x16xf32, #tpu.memory_space<vmem_shared>>
      %dma_start3A_181 = arith.constant 0 : i32
      %dma_start3A_182 = tpu.memref_slice %arg8[%add3A_23, %dma_start3A_181] : memref<10000x16xf32, #tpu.memory_space<vmem_shared>> -> memref<80x16xf32, #tpu.memory_space<vmem_shared>>
      tpu.enqueue_dma source(%arg13 : memref<80x16xf32, #tpu.memory_space<vmem>>) target(%dma_start3A_182 : memref<80x16xf32, #tpu.memory_space<vmem_shared>>) target_semaphore(%run_scoped3A_178 : memref<!tpu.dma_semaphore, #tpu.memory_space<semaphore_mem>>)
      %dma_wait3A_183 = arith.constant 0 : i32
      %dma_wait3A_184 = tpu.memref_slice %arg8[%add3A_23, %dma_wait3A_183] : memref<10000x16xf32, #tpu.memory_space<vmem_shared>> -> memref<80x16xf32, #tpu.memory_space<vmem_shared>>
      %dma_wait3A_185 = arith.constant 0 : i32
      %dma_wait3A_186 = tpu.memref_slice %arg8[%add3A_23, %dma_wait3A_185] : memref<10000x16xf32, #tpu.memory_space<vmem_shared>> -> memref<80x16xf32, #tpu.memory_space<vmem_shared>>
      tpu.wait_dma2 semaphore(%run_scoped3A_178 : memref<!tpu.dma_semaphore, #tpu.memory_space<semaphore_mem>>) src(%arg13 : memref<80x16xf32, #tpu.memory_space<vmem>>) dst(%dma_wait3A_186 : memref<80x16xf32, #tpu.memory_space<vmem_shared>>)
      tpu.yield
    }) : () -> ()
    %mul3A_24 = arith.constant 640 : i32
    %mul3A_25 = arith.muli %arg1, %mul3A_24 : i32
    %add3A_26 = arith.constant 320 : i32
    %add3A_27 = arith.addi %mul3A_25, %add3A_26 : i32
    "tpu.region"() ({
      %run_scoped3A_178 = tpu.sem_alloc : memref<!tpu.dma_semaphore, #tpu.memory_space<semaphore_mem>>
      %dma_start3A_179 = arith.constant 0 : i32
      %dma_start3A_180 = tpu.memref_slice %arg7[%add3A_27, %dma_start3A_179] : memref<10000x128xf32, #tpu.memory_space<vmem_shared>> -> memref<80x128xf32, #tpu.memory_space<vmem_shared>>
      %dma_start3A_181 = arith.constant 0 : i32
      %dma_start3A_182 = tpu.memref_slice %arg7[%add3A_27, %dma_start3A_181] : memref<10000x128xf32, #tpu.memory_space<vmem_shared>> -> memref<80x128xf32, #tpu.memory_space<vmem_shared>>
      tpu.enqueue_dma source(%arg11 : memref<80x128xf32, #tpu.memory_space<vmem>>) target(%dma_start3A_182 : memref<80x128xf32, #tpu.memory_space<vmem_shared>>) target_semaphore(%run_scoped3A_178 : memref<!tpu.dma_semaphore, #tpu.memory_space<semaphore_mem>>)
      %dma_wait3A_183 = arith.constant 0 : i32
      %dma_wait3A_184 = tpu.memref_slice %arg7[%add3A_27, %dma_wait3A_183] : memref<10000x128xf32, #tpu.memory_space<vmem_shared>> -> memref<80x128xf32, #tpu.memory_space<vmem_shared>>
      %dma_wait3A_185 = arith.constant 0 : i32
      %dma_wait3A_186 = tpu.memref_slice %arg7[%add3A_27, %dma_wait3A_185] : memref<10000x128xf32, #tpu.memory_space<vmem_shared>> -> memref<80x128xf32, #tpu.memory_space<vmem_shared>>
      tpu.wait_dma2 semaphore(%run_scoped3A_178 : memref<!tpu.dma_semaphore, #tpu.memory_space<semaphore_mem>>) src(%arg11 : memref<80x128xf32, #tpu.memory_space<vmem>>) dst(%dma_wait3A_186 : memref<80x128xf32, #tpu.memory_space<vmem_shared>>)
      tpu.yield
    }) : () -> ()
    "tpu.region"() ({
      %run_scoped3A_178 = tpu.sem_alloc : memref<!tpu.dma_semaphore, #tpu.memory_space<semaphore_mem>>
      %dma_start3A_179 = arith.constant 0 : i32
      %dma_start3A_180 = tpu.memref_slice %arg8[%add3A_27, %dma_start3A_179] : memref<10000x16xf32, #tpu.memory_space<vmem_shared>> -> memref<80x16xf32, #tpu.memory_space<vmem_shared>>
      %dma_start3A_181 = arith.constant 0 : i32
      %dma_start3A_182 = tpu.memref_slice %arg8[%add3A_27, %dma_start3A_181] : memref<10000x16xf32, #tpu.memory_space<vmem_shared>> -> memref<80x16xf32, #tpu.memory_space<vmem_shared>>
      tpu.enqueue_dma source(%arg13 : memref<80x16xf32, #tpu.memory_space<vmem>>) target(%dma_start3A_182 : memref<80x16xf32, #tpu.memory_space<vmem_shared>>) target_semaphore(%run_scoped3A_178 : memref<!tpu.dma_semaphore, #tpu.memory_space<semaphore_mem>>)
      %dma_wait3A_183 = arith.constant 0 : i32
      %dma_wait3A_184 = tpu.memref_slice %arg8[%add3A_27, %dma_wait3A_183] : memref<10000x16xf32, #tpu.memory_space<vmem_shared>> -> memref<80x16xf32, #tpu.memory_space<vmem_shared>>
      %dma_wait3A_185 = arith.constant 0 : i32
      %dma_wait3A_186 = tpu.memref_slice %arg8[%add3A_27, %dma_wait3A_185] : memref<10000x16xf32, #tpu.memory_space<vmem_shared>> -> memref<80x16xf32, #tpu.memory_space<vmem_shared>>
      tpu.wait_dma2 semaphore(%run_scoped3A_178 : memref<!tpu.dma_semaphore, #tpu.memory_space<semaphore_mem>>) src(%arg13 : memref<80x16xf32, #tpu.memory_space<vmem>>) dst(%dma_wait3A_186 : memref<80x16xf32, #tpu.memory_space<vmem_shared>>)
      tpu.yield
    }) : () -> ()
    %mul3A_28 = arith.constant 640 : i32
    %mul3A_29 = arith.muli %arg1, %mul3A_28 : i32
    %add3A_30 = arith.constant 400 : i32
    %add3A_31 = arith.addi %mul3A_29, %add3A_30 : i32
    %lt3A = arith.constant 15 : i32
    %lt3A_32 = arith.cmpi slt, %arg1, %lt3A : i32
    %convert_element_type3A = arith.extui %lt3A_32 : i1 to i32
    %cond3A = arith.constant 0 : i32
    %cond3A_33 = arith.cmpi ne, %convert_element_type3A, %cond3A : i32
    scf.if %cond3A_33 {
      "tpu.region"() ({
        %run_scoped3A_178 = tpu.sem_alloc : memref<!tpu.dma_semaphore, #tpu.memory_space<semaphore_mem>>
        %dma_start3A_179 = arith.constant 0 : i32
        %dma_start3A_180 = tpu.memref_slice %arg7[%add3A_31, %dma_start3A_179] : memref<10000x128xf32, #tpu.memory_space<vmem_shared>> -> memref<80x128xf32, #tpu.memory_space<vmem_shared>>
        %dma_start3A_181 = arith.constant 0 : i32
        %dma_start3A_182 = tpu.memref_slice %arg7[%add3A_31, %dma_start3A_181] : memref<10000x128xf32, #tpu.memory_space<vmem_shared>> -> memref<80x128xf32, #tpu.memory_space<vmem_shared>>
        tpu.enqueue_dma source(%arg11 : memref<80x128xf32, #tpu.memory_space<vmem>>) target(%dma_start3A_182 : memref<80x128xf32, #tpu.memory_space<vmem_shared>>) target_semaphore(%run_scoped3A_178 : memref<!tpu.dma_semaphore, #tpu.memory_space<semaphore_mem>>)
        %dma_wait3A_183 = arith.constant 0 : i32
        %dma_wait3A_184 = tpu.memref_slice %arg7[%add3A_31, %dma_wait3A_183] : memref<10000x128xf32, #tpu.memory_space<vmem_shared>> -> memref<80x128xf32, #tpu.memory_space<vmem_shared>>
        %dma_wait3A_185 = arith.constant 0 : i32
        %dma_wait3A_186 = tpu.memref_slice %arg7[%add3A_31, %dma_wait3A_185] : memref<10000x128xf32, #tpu.memory_space<vmem_shared>> -> memref<80x128xf32, #tpu.memory_space<vmem_shared>>
        tpu.wait_dma2 semaphore(%run_scoped3A_178 : memref<!tpu.dma_semaphore, #tpu.memory_space<semaphore_mem>>) src(%arg11 : memref<80x128xf32, #tpu.memory_space<vmem>>) dst(%dma_wait3A_186 : memref<80x128xf32, #tpu.memory_space<vmem_shared>>)
        tpu.yield
      }) : () -> ()
      "tpu.region"() ({
        %run_scoped3A_178 = tpu.sem_alloc : memref<!tpu.dma_semaphore, #tpu.memory_space<semaphore_mem>>
        %dma_start3A_179 = arith.constant 0 : i32
        %dma_start3A_180 = tpu.memref_slice %arg8[%add3A_31, %dma_start3A_179] : memref<10000x16xf32, #tpu.memory_space<vmem_shared>> -> memref<80x16xf32, #tpu.memory_space<vmem_shared>>
        %dma_start3A_181 = arith.constant 0 : i32
        %dma_start3A_182 = tpu.memref_slice %arg8[%add3A_31, %dma_start3A_181] : memref<10000x16xf32, #tpu.memory_space<vmem_shared>> -> memref<80x16xf32, #tpu.memory_space<vmem_shared>>
        tpu.enqueue_dma source(%arg13 : memref<80x16xf32, #tpu.memory_space<vmem>>) target(%dma_start3A_182 : memref<80x16xf32, #tpu.memory_space<vmem_shared>>) target_semaphore(%run_scoped3A_178 : memref<!tpu.dma_semaphore, #tpu.memory_space<semaphore_mem>>)
        %dma_wait3A_183 = arith.constant 0 : i32
        %dma_wait3A_184 = tpu.memref_slice %arg8[%add3A_31, %dma_wait3A_183] : memref<10000x16xf32, #tpu.memory_space<vmem_shared>> -> memref<80x16xf32, #tpu.memory_space<vmem_shared>>
        %dma_wait3A_185 = arith.constant 0 : i32
        %dma_wait3A_186 = tpu.memref_slice %arg8[%add3A_31, %dma_wait3A_185] : memref<10000x16xf32, #tpu.memory_space<vmem_shared>> -> memref<80x16xf32, #tpu.memory_space<vmem_shared>>
        tpu.wait_dma2 semaphore(%run_scoped3A_178 : memref<!tpu.dma_semaphore, #tpu.memory_space<semaphore_mem>>) src(%arg13 : memref<80x16xf32, #tpu.memory_space<vmem>>) dst(%dma_wait3A_186 : memref<80x16xf32, #tpu.memory_space<vmem_shared>>)
        tpu.yield
      }) : () -> ()
    } else {
    }
    %mul3A_34 = arith.constant 640 : i32
    %mul3A_35 = arith.muli %arg1, %mul3A_34 : i32
    %add3A_36 = arith.constant 480 : i32
    %add3A_37 = arith.addi %mul3A_35, %add3A_36 : i32
    %lt3A_38 = arith.constant 15 : i32
    %lt3A_39 = arith.cmpi slt, %arg1, %lt3A_38 : i32
    %convert_element_type3A_40 = arith.extui %lt3A_39 : i1 to i32
    %cond3A_41 = arith.constant 0 : i32
    %cond3A_42 = arith.cmpi ne, %convert_element_type3A_40, %cond3A_41 : i32
    scf.if %cond3A_42 {
      "tpu.region"() ({
        %run_scoped3A_178 = tpu.sem_alloc : memref<!tpu.dma_semaphore, #tpu.memory_space<semaphore_mem>>
        %dma_start3A_179 = arith.constant 0 : i32
        %dma_start3A_180 = tpu.memref_slice %arg7[%add3A_37, %dma_start3A_179] : memref<10000x128xf32, #tpu.memory_space<vmem_shared>> -> memref<80x128xf32, #tpu.memory_space<vmem_shared>>
        %dma_start3A_181 = arith.constant 0 : i32
        %dma_start3A_182 = tpu.memref_slice %arg7[%add3A_37, %dma_start3A_181] : memref<10000x128xf32, #tpu.memory_space<vmem_shared>> -> memref<80x128xf32, #tpu.memory_space<vmem_shared>>
        tpu.enqueue_dma source(%arg11 : memref<80x128xf32, #tpu.memory_space<vmem>>) target(%dma_start3A_182 : memref<80x128xf32, #tpu.memory_space<vmem_shared>>) target_semaphore(%run_scoped3A_178 : memref<!tpu.dma_semaphore, #tpu.memory_space<semaphore_mem>>)
        %dma_wait3A_183 = arith.constant 0 : i32
        %dma_wait3A_184 = tpu.memref_slice %arg7[%add3A_37, %dma_wait3A_183] : memref<10000x128xf32, #tpu.memory_space<vmem_shared>> -> memref<80x128xf32, #tpu.memory_space<vmem_shared>>
        %dma_wait3A_185 = arith.constant 0 : i32
        %dma_wait3A_186 = tpu.memref_slice %arg7[%add3A_37, %dma_wait3A_185] : memref<10000x128xf32, #tpu.memory_space<vmem_shared>> -> memref<80x128xf32, #tpu.memory_space<vmem_shared>>
        tpu.wait_dma2 semaphore(%run_scoped3A_178 : memref<!tpu.dma_semaphore, #tpu.memory_space<semaphore_mem>>) src(%arg11 : memref<80x128xf32, #tpu.memory_space<vmem>>) dst(%dma_wait3A_186 : memref<80x128xf32, #tpu.memory_space<vmem_shared>>)
        tpu.yield
      }) : () -> ()
      "tpu.region"() ({
        %run_scoped3A_178 = tpu.sem_alloc : memref<!tpu.dma_semaphore, #tpu.memory_space<semaphore_mem>>
        %dma_start3A_179 = arith.constant 0 : i32
        %dma_start3A_180 = tpu.memref_slice %arg8[%add3A_37, %dma_start3A_179] : memref<10000x16xf32, #tpu.memory_space<vmem_shared>> -> memref<80x16xf32, #tpu.memory_space<vmem_shared>>
        %dma_start3A_181 = arith.constant 0 : i32
        %dma_start3A_182 = tpu.memref_slice %arg8[%add3A_37, %dma_start3A_181] : memref<10000x16xf32, #tpu.memory_space<vmem_shared>> -> memref<80x16xf32, #tpu.memory_space<vmem_shared>>
        tpu.enqueue_dma source(%arg13 : memref<80x16xf32, #tpu.memory_space<vmem>>) target(%dma_start3A_182 : memref<80x16xf32, #tpu.memory_space<vmem_shared>>) target_semaphore(%run_scoped3A_178 : memref<!tpu.dma_semaphore, #tpu.memory_space<semaphore_mem>>)
        %dma_wait3A_183 = arith.constant 0 : i32
        %dma_wait3A_184 = tpu.memref_slice %arg8[%add3A_37, %dma_wait3A_183] : memref<10000x16xf32, #tpu.memory_space<vmem_shared>> -> memref<80x16xf32, #tpu.memory_space<vmem_shared>>
        %dma_wait3A_185 = arith.constant 0 : i32
        %dma_wait3A_186 = tpu.memref_slice %arg8[%add3A_37, %dma_wait3A_185] : memref<10000x16xf32, #tpu.memory_space<vmem_shared>> -> memref<80x16xf32, #tpu.memory_space<vmem_shared>>
        tpu.wait_dma2 semaphore(%run_scoped3A_178 : memref<!tpu.dma_semaphore, #tpu.memory_space<semaphore_mem>>) src(%arg13 : memref<80x16xf32, #tpu.memory_space<vmem>>) dst(%dma_wait3A_186 : memref<80x16xf32, #tpu.memory_space<vmem_shared>>)
        tpu.yield
      }) : () -> ()
    } else {
    }
    %mul3A_43 = arith.constant 640 : i32
    %mul3A_44 = arith.muli %arg1, %mul3A_43 : i32
    %add3A_45 = arith.constant 560 : i32
    %add3A_46 = arith.addi %mul3A_44, %add3A_45 : i32
    %lt3A_47 = arith.constant 15 : i32
    %lt3A_48 = arith.cmpi slt, %arg1, %lt3A_47 : i32
    %convert_element_type3A_49 = arith.extui %lt3A_48 : i1 to i32
    %cond3A_50 = arith.constant 0 : i32
    %cond3A_51 = arith.cmpi ne, %convert_element_type3A_49, %cond3A_50 : i32
    scf.if %cond3A_51 {
      "tpu.region"() ({
        %run_scoped3A_178 = tpu.sem_alloc : memref<!tpu.dma_semaphore, #tpu.memory_space<semaphore_mem>>
        %dma_start3A_179 = arith.constant 0 : i32
        %dma_start3A_180 = tpu.memref_slice %arg7[%add3A_46, %dma_start3A_179] : memref<10000x128xf32, #tpu.memory_space<vmem_shared>> -> memref<80x128xf32, #tpu.memory_space<vmem_shared>>
        %dma_start3A_181 = arith.constant 0 : i32
        %dma_start3A_182 = tpu.memref_slice %arg7[%add3A_46, %dma_start3A_181] : memref<10000x128xf32, #tpu.memory_space<vmem_shared>> -> memref<80x128xf32, #tpu.memory_space<vmem_shared>>
        tpu.enqueue_dma source(%arg11 : memref<80x128xf32, #tpu.memory_space<vmem>>) target(%dma_start3A_182 : memref<80x128xf32, #tpu.memory_space<vmem_shared>>) target_semaphore(%run_scoped3A_178 : memref<!tpu.dma_semaphore, #tpu.memory_space<semaphore_mem>>)
        %dma_wait3A_183 = arith.constant 0 : i32
        %dma_wait3A_184 = tpu.memref_slice %arg7[%add3A_46, %dma_wait3A_183] : memref<10000x128xf32, #tpu.memory_space<vmem_shared>> -> memref<80x128xf32, #tpu.memory_space<vmem_shared>>
        %dma_wait3A_185 = arith.constant 0 : i32
        %dma_wait3A_186 = tpu.memref_slice %arg7[%add3A_46, %dma_wait3A_185] : memref<10000x128xf32, #tpu.memory_space<vmem_shared>> -> memref<80x128xf32, #tpu.memory_space<vmem_shared>>
        tpu.wait_dma2 semaphore(%run_scoped3A_178 : memref<!tpu.dma_semaphore, #tpu.memory_space<semaphore_mem>>) src(%arg11 : memref<80x128xf32, #tpu.memory_space<vmem>>) dst(%dma_wait3A_186 : memref<80x128xf32, #tpu.memory_space<vmem_shared>>)
        tpu.yield
      }) : () -> ()
      "tpu.region"() ({
        %run_scoped3A_178 = tpu.sem_alloc : memref<!tpu.dma_semaphore, #tpu.memory_space<semaphore_mem>>
        %dma_start3A_179 = arith.constant 0 : i32
        %dma_start3A_180 = tpu.memref_slice %arg8[%add3A_46, %dma_start3A_179] : memref<10000x16xf32, #tpu.memory_space<vmem_shared>> -> memref<80x16xf32, #tpu.memory_space<vmem_shared>>
        %dma_start3A_181 = arith.constant 0 : i32
        %dma_start3A_182 = tpu.memref_slice %arg8[%add3A_46, %dma_start3A_181] : memref<10000x16xf32, #tpu.memory_space<vmem_shared>> -> memref<80x16xf32, #tpu.memory_space<vmem_shared>>
        tpu.enqueue_dma source(%arg13 : memref<80x16xf32, #tpu.memory_space<vmem>>) target(%dma_start3A_182 : memref<80x16xf32, #tpu.memory_space<vmem_shared>>) target_semaphore(%run_scoped3A_178 : memref<!tpu.dma_semaphore, #tpu.memory_space<semaphore_mem>>)
        %dma_wait3A_183 = arith.constant 0 : i32
        %dma_wait3A_184 = tpu.memref_slice %arg8[%add3A_46, %dma_wait3A_183] : memref<10000x16xf32, #tpu.memory_space<vmem_shared>> -> memref<80x16xf32, #tpu.memory_space<vmem_shared>>
        %dma_wait3A_185 = arith.constant 0 : i32
        %dma_wait3A_186 = tpu.memref_slice %arg8[%add3A_46, %dma_wait3A_185] : memref<10000x16xf32, #tpu.memory_space<vmem_shared>> -> memref<80x16xf32, #tpu.memory_space<vmem_shared>>
        tpu.wait_dma2 semaphore(%run_scoped3A_178 : memref<!tpu.dma_semaphore, #tpu.memory_space<semaphore_mem>>) src(%arg13 : memref<80x16xf32, #tpu.memory_space<vmem>>) dst(%dma_wait3A_186 : memref<80x16xf32, #tpu.memory_space<vmem_shared>>)
        tpu.yield
      }) : () -> ()
    } else {
    }
    %broadcast_in_dim3A_52 = arith.constant 1.000000e+00 : f32
    %broadcast_in_dim3A_53 = vector.broadcast %broadcast_in_dim3A_52 : f32 to vector<16xf32>
    %scan3A_54 = arith.constant 0 : i32
    %scan3A_55 = arith.constant 0 : i32
    %scan3A_56 = arith.constant 80 : i32
    %scan3A_57 = arith.addi %scan3A_55, %scan3A_56 : i32
    %scan3A_58 = arith.constant 1 : i32
    %scan3A_59 = scf.for %scan3A_178 = %scan3A_55 to %scan3A_57 step %scan3A_58 iter_args(%scan3A_179 = %scan3A_54) -> (i32)  : i32 {
      %swap3A = arith.index_cast %scan3A_178 : i32 to index
      %swap3A_180 = arith.constant 0 : index
      %swap3A_181 = tpu.vector_load %arg13[%swap3A, %swap3A_180] {strides = array<i32>} : memref<80x16xf32, #tpu.memory_space<vmem>>, vector<1x16xf32>,
      %swap3A_182 = vector.shape_cast %swap3A_181 : vector<1x16xf32> to vector<16xf32>
      %swap3A_183 = vector.shape_cast %broadcast_in_dim3A_53 : vector<16xf32> to vector<1x16xf32>
      tpu.vector_store %arg13[%swap3A, %swap3A_180], %swap3A_183 {strides = array<i32>} : memref<80x16xf32, #tpu.memory_space<vmem>>, vector<1x16xf32>,
      %scan3A_184 = arith.constant 0 : i32
      scf.yield %scan3A_184 : i32
    }
    %scan3A_60 = arith.constant 80 : i32
    %barrier3A = arith.constant 0 : index
    tpu.barrier barrier_id(%barrier3A)
    %dma_start3A = arith.constant 0 : i32
    %dma_start3A_61 = tpu.memref_slice %arg9[%dma_start3A] : memref<10000xi32, #tpu.memory_space<vmem>> -> memref<80xi32, #tpu.memory_space<vmem>>
    %dma_start3A_62 = arith.constant 0 : i32
    %dma_start3A_63 = arith.constant 0 : i32
    %dma_start3A_64 = tpu.memref_slice %arg2[%dma_start3A_62, %dma_start3A_63] : memref<10000x128xf32, #tpu.memory_space<hbm>> -> memref<10000x128xf32, #tpu.memory_space<hbm>>
    tpu.enqueue_indirect_dma source(%dma_start3A_64 : memref<10000x128xf32, #tpu.memory_space<hbm>>) target(%arg11 : memref<80x128xf32, #tpu.memory_space<vmem>>) offsets(%dma_start3A_61 : memref<80xi32, #tpu.memory_space<vmem>>) semaphore(%arg14 : memref<!tpu.dma_semaphore, #tpu.memory_space<semaphore_mem>>)
    %scan3A_65 = arith.constant 0 : i32
    %scan3A_66 = arith.constant 0 : i32
    %scan3A_67 = arith.constant 31 : i32
    %scan3A_68 = arith.addi %scan3A_66, %scan3A_67 : i32
    %scan3A_69 = arith.constant 1 : i32
    %scan3A_70 = scf.for %scan3A_178 = %scan3A_66 to %scan3A_68 step %scan3A_69 iter_args(%scan3A_179 = %scan3A_65) -> (i32)  : i32 {
      %mul3A_180 = arith.constant 2 : i32
      %mul3A_181 = arith.muli %mul3A_180, %scan3A_178 : i32
      %add3A_182 = arith.constant 1 : i32
      %add3A_183 = arith.addi %mul3A_181, %add3A_182 : i32
      %mul3A_184 = arith.constant 80 : i32
      %mul3A_185 = arith.muli %add3A_183, %mul3A_184 : i32
      %dma_start3A_186 = tpu.memref_slice %arg9[%mul3A_185] : memref<10000xi32, #tpu.memory_space<vmem>> -> memref<80xi32, #tpu.memory_space<vmem>>
      %dma_start3A_187 = arith.constant 0 : i32
      %dma_start3A_188 = arith.constant 0 : i32
      %dma_start3A_189 = tpu.memref_slice %arg2[%dma_start3A_187, %dma_start3A_188] : memref<10000x128xf32, #tpu.memory_space<hbm>> -> memref<10000x128xf32, #tpu.memory_space<hbm>>
      tpu.enqueue_indirect_dma source(%dma_start3A_189 : memref<10000x128xf32, #tpu.memory_space<hbm>>) target(%arg12 : memref<80x128xf32, #tpu.memory_space<vmem>>) offsets(%dma_start3A_186 : memref<80xi32, #tpu.memory_space<vmem>>) semaphore(%arg15 : memref<!tpu.dma_semaphore, #tpu.memory_space<semaphore_mem>>)
      %mul3A_190 = arith.constant 80 : i32
      %mul3A_191 = arith.muli %mul3A_181, %mul3A_190 : i32
      %dma_wait3A_192 = tpu.memref_slice %arg9[%mul3A_191] : memref<10000xi32, #tpu.memory_space<vmem>> -> memref<80xi32, #tpu.memory_space<vmem>>
      %dma_wait3A_193 = arith.constant 0 : i32
      %dma_wait3A_194 = arith.constant 0 : i32
      %dma_wait3A_195 = tpu.memref_slice %arg2[%dma_wait3A_193, %dma_wait3A_194] : memref<10000x128xf32, #tpu.memory_space<hbm>> -> memref<10000x128xf32, #tpu.memory_space<hbm>>
      tpu.wait_indirect_dma semaphore(%arg14 : memref<!tpu.dma_semaphore, #tpu.memory_space<semaphore_mem>>) src(%dma_wait3A_195 : memref<10000x128xf32, #tpu.memory_space<hbm>>) dst(%arg11 : memref<80x128xf32, #tpu.memory_space<vmem>>)
      "tpu.region"() ({
        %run_scoped3A_238 = tpu.sem_alloc : memref<!tpu.dma_semaphore, #tpu.memory_space<semaphore_mem>>
        %dma_start3A_239 = arith.constant 0 : i32
        %dma_start3A_240 = tpu.memref_slice %arg10[%mul3A_181, %dma_start3A_239] : memref<63x80xi32, #tpu.memory_space<vmem>> -> memref<1x80xi32, #tpu.memory_space<vmem>>
        %dma_start3A_241 = tpu.memref_squeeze %dma_start3A_240 : memref<1x80xi32, #tpu.memory_space<vmem>> -> memref<80xi32, #tpu.memory_space<vmem>>
        %dma_start3A_242 = arith.constant 0 : i32
        %dma_start3A_243 = arith.constant 0 : i32
        %dma_start3A_244 = tpu.memref_slice %arg7[%dma_start3A_242, %dma_start3A_243] : memref<10000x128xf32, #tpu.memory_space<vmem_shared>> -> memref<10000x128xf32, #tpu.memory_space<vmem_shared>>
        tpu.enqueue_indirect_dma source(%arg11 : memref<80x128xf32, #tpu.memory_space<vmem>>) target(%dma_start3A_244 : memref<10000x128xf32, #tpu.memory_space<vmem_shared>>) offsets(%dma_start3A_241 : memref<80xi32, #tpu.memory_space<vmem>>) semaphore(%run_scoped3A_238 : memref<!tpu.dma_semaphore, #tpu.memory_space<semaphore_mem>>) {add = true}
        %dma_wait3A_245 = arith.constant 0 : i32
        %dma_wait3A_246 = tpu.memref_slice %arg10[%mul3A_181, %dma_wait3A_245] : memref<63x80xi32, #tpu.memory_space<vmem>> -> memref<1x80xi32, #tpu.memory_space<vmem>>
        %dma_wait3A_247 = tpu.memref_squeeze %dma_wait3A_246 : memref<1x80xi32, #tpu.memory_space<vmem>> -> memref<80xi32, #tpu.memory_space<vmem>>
        %dma_wait3A_248 = arith.constant 0 : i32
        %dma_wait3A_249 = arith.constant 0 : i32
        %dma_wait3A_250 = tpu.memref_slice %arg7[%dma_wait3A_248, %dma_wait3A_249] : memref<10000x128xf32, #tpu.memory_space<vmem_shared>> -> memref<10000x128xf32, #tpu.memory_space<vmem_shared>>
        tpu.wait_indirect_dma semaphore(%run_scoped3A_238 : memref<!tpu.dma_semaphore, #tpu.memory_space<semaphore_mem>>) src(%arg11 : memref<80x128xf32, #tpu.memory_space<vmem>>) dst(%dma_wait3A_250 : memref<10000x128xf32, #tpu.memory_space<vmem_shared>>)
        tpu.yield
      }) : () -> ()
      %ge3A = arith.constant 2 : i32
      %ge3A_196 = arith.cmpi sge, %mul3A_181, %ge3A : i32
      %convert_element_type3A_197 = arith.extui %ge3A_196 : i1 to i32
      %cond3A_198 = arith.constant 0 : i32
      %cond3A_199 = arith.cmpi ne, %convert_element_type3A_197, %cond3A_198 : i32
      scf.if %cond3A_199 {
        %sub3A = arith.constant 2 : i32
        %sub3A_238 = arith.subi %mul3A_181, %sub3A : i32
        %dma_wait3A_239 = arith.constant 0 : i32
        %dma_wait3A_240 = tpu.memref_slice %arg10[%sub3A_238, %dma_wait3A_239] : memref<63x80xi32, #tpu.memory_space<vmem>> -> memref<1x80xi32, #tpu.memory_space<vmem>>
        %dma_wait3A_241 = tpu.memref_squeeze %dma_wait3A_240 : memref<1x80xi32, #tpu.memory_space<vmem>> -> memref<80xi32, #tpu.memory_space<vmem>>
        %dma_wait3A_242 = arith.constant 0 : i32
        %dma_wait3A_243 = arith.constant 0 : i32
        %dma_wait3A_244 = tpu.memref_slice %arg8[%dma_wait3A_242, %dma_wait3A_243] : memref<10000x16xf32, #tpu.memory_space<vmem_shared>> -> memref<10000x16xf32, #tpu.memory_space<vmem_shared>>
        tpu.wait_indirect_dma semaphore(%arg16 : memref<!tpu.dma_semaphore, #tpu.memory_space<semaphore_mem>>) src(%arg13 : memref<80x16xf32, #tpu.memory_space<vmem>>) dst(%dma_wait3A_244 : memref<10000x16xf32, #tpu.memory_space<vmem_shared>>)
      } else {
      }
      %dma_start3A_200 = arith.constant 0 : i32
      %dma_start3A_201 = tpu.memref_slice %arg10[%mul3A_181, %dma_start3A_200] : memref<63x80xi32, #tpu.memory_space<vmem>> -> memref<1x80xi32, #tpu.memory_space<vmem>>
      %dma_start3A_202 = tpu.memref_squeeze %dma_start3A_201 : memref<1x80xi32, #tpu.memory_space<vmem>> -> memref<80xi32, #tpu.memory_space<vmem>>
      %dma_start3A_203 = arith.constant 0 : i32
      %dma_start3A_204 = arith.constant 0 : i32
      %dma_start3A_205 = tpu.memref_slice %arg8[%dma_start3A_203, %dma_start3A_204] : memref<10000x16xf32, #tpu.memory_space<vmem_shared>> -> memref<10000x16xf32, #tpu.memory_space<vmem_shared>>
      tpu.enqueue_indirect_dma source(%arg13 : memref<80x16xf32, #tpu.memory_space<vmem>>) target(%dma_start3A_205 : memref<10000x16xf32, #tpu.memory_space<vmem_shared>>) offsets(%dma_start3A_202 : memref<80xi32, #tpu.memory_space<vmem>>) semaphore(%arg16 : memref<!tpu.dma_semaphore, #tpu.memory_space<semaphore_mem>>) {add = true}
      %add3A_206 = arith.constant 2 : i32
      %add3A_207 = arith.addi %mul3A_181, %add3A_206 : i32
      %mul3A_208 = arith.constant 80 : i32
      %mul3A_209 = arith.muli %add3A_207, %mul3A_208 : i32
      %dma_start3A_210 = tpu.memref_slice %arg9[%mul3A_209] : memref<10000xi32, #tpu.memory_space<vmem>> -> memref<80xi32, #tpu.memory_space<vmem>>
      %dma_start3A_211 = arith.constant 0 : i32
      %dma_start3A_212 = arith.constant 0 : i32
      %dma_start3A_213 = tpu.memref_slice %arg2[%dma_start3A_211, %dma_start3A_212] : memref<10000x128xf32, #tpu.memory_space<hbm>> -> memref<10000x128xf32, #tpu.memory_space<hbm>>
      tpu.enqueue_indirect_dma source(%dma_start3A_213 : memref<10000x128xf32, #tpu.memory_space<hbm>>) target(%arg11 : memref<80x128xf32, #tpu.memory_space<vmem>>) offsets(%dma_start3A_210 : memref<80xi32, #tpu.memory_space<vmem>>) semaphore(%arg14 : memref<!tpu.dma_semaphore, #tpu.memory_space<semaphore_mem>>)
      %add3A_214 = arith.constant 1 : i32
      %add3A_215 = arith.addi %mul3A_181, %add3A_214 : i32
      %mul3A_216 = arith.constant 80 : i32
      %mul3A_217 = arith.muli %add3A_215, %mul3A_216 : i32
      %dma_wait3A_218 = tpu.memref_slice %arg9[%mul3A_217] : memref<10000xi32, #tpu.memory_space<vmem>> -> memref<80xi32, #tpu.memory_space<vmem>>
      %dma_wait3A_219 = arith.constant 0 : i32
      %dma_wait3A_220 = arith.constant 0 : i32
      %dma_wait3A_221 = tpu.memref_slice %arg2[%dma_wait3A_219, %dma_wait3A_220] : memref<10000x128xf32, #tpu.memory_space<hbm>> -> memref<10000x128xf32, #tpu.memory_space<hbm>>
      tpu.wait_indirect_dma semaphore(%arg15 : memref<!tpu.dma_semaphore, #tpu.memory_space<semaphore_mem>>) src(%dma_wait3A_221 : memref<10000x128xf32, #tpu.memory_space<hbm>>) dst(%arg12 : memref<80x128xf32, #tpu.memory_space<vmem>>)
      %add3A_222 = arith.constant 1 : i32
      %add3A_223 = arith.addi %mul3A_181, %add3A_222 : i32
      "tpu.region"() ({
        %run_scoped3A_238 = tpu.sem_alloc : memref<!tpu.dma_semaphore, #tpu.memory_space<semaphore_mem>>
        %dma_start3A_239 = arith.constant 0 : i32
        %dma_start3A_240 = tpu.memref_slice %arg10[%add3A_223, %dma_start3A_239] : memref<63x80xi32, #tpu.memory_space<vmem>> -> memref<1x80xi32, #tpu.memory_space<vmem>>
        %dma_start3A_241 = tpu.memref_squeeze %dma_start3A_240 : memref<1x80xi32, #tpu.memory_space<vmem>> -> memref<80xi32, #tpu.memory_space<vmem>>
        %dma_start3A_242 = arith.constant 0 : i32
        %dma_start3A_243 = arith.constant 0 : i32
        %dma_start3A_244 = tpu.memref_slice %arg7[%dma_start3A_242, %dma_start3A_243] : memref<10000x128xf32, #tpu.memory_space<vmem_shared>> -> memref<10000x128xf32, #tpu.memory_space<vmem_shared>>
        tpu.enqueue_indirect_dma source(%arg12 : memref<80x128xf32, #tpu.memory_space<vmem>>) target(%dma_start3A_244 : memref<10000x128xf32, #tpu.memory_space<vmem_shared>>) offsets(%dma_start3A_241 : memref<80xi32, #tpu.memory_space<vmem>>) semaphore(%run_scoped3A_238 : memref<!tpu.dma_semaphore, #tpu.memory_space<semaphore_mem>>) {add = true}
        %dma_wait3A_245 = arith.constant 0 : i32
        %dma_wait3A_246 = tpu.memref_slice %arg10[%add3A_223, %dma_wait3A_245] : memref<63x80xi32, #tpu.memory_space<vmem>> -> memref<1x80xi32, #tpu.memory_space<vmem>>
        %dma_wait3A_247 = tpu.memref_squeeze %dma_wait3A_246 : memref<1x80xi32, #tpu.memory_space<vmem>> -> memref<80xi32, #tpu.memory_space<vmem>>
        %dma_wait3A_248 = arith.constant 0 : i32
        %dma_wait3A_249 = arith.constant 0 : i32
        %dma_wait3A_250 = tpu.memref_slice %arg7[%dma_wait3A_248, %dma_wait3A_249] : memref<10000x128xf32, #tpu.memory_space<vmem_shared>> -> memref<10000x128xf32, #tpu.memory_space<vmem_shared>>
        tpu.wait_indirect_dma semaphore(%run_scoped3A_238 : memref<!tpu.dma_semaphore, #tpu.memory_space<semaphore_mem>>) src(%arg12 : memref<80x128xf32, #tpu.memory_space<vmem>>) dst(%dma_wait3A_250 : memref<10000x128xf32, #tpu.memory_space<vmem_shared>>)
        tpu.yield
      }) : () -> ()
      %ge3A_224 = arith.constant 1 : i32
      %ge3A_225 = arith.cmpi sge, %mul3A_181, %ge3A_224 : i32
      %convert_element_type3A_226 = arith.extui %ge3A_225 : i1 to i32
      %cond3A_227 = arith.constant 0 : i32
      %cond3A_228 = arith.cmpi ne, %convert_element_type3A_226, %cond3A_227 : i32
      scf.if %cond3A_228 {
        %sub3A = arith.constant 1 : i32
        %sub3A_238 = arith.subi %mul3A_181, %sub3A : i32
        %dma_wait3A_239 = arith.constant 0 : i32
        %dma_wait3A_240 = tpu.memref_slice %arg10[%sub3A_238, %dma_wait3A_239] : memref<63x80xi32, #tpu.memory_space<vmem>> -> memref<1x80xi32, #tpu.memory_space<vmem>>
        %dma_wait3A_241 = tpu.memref_squeeze %dma_wait3A_240 : memref<1x80xi32, #tpu.memory_space<vmem>> -> memref<80xi32, #tpu.memory_space<vmem>>
        %dma_wait3A_242 = arith.constant 0 : i32
        %dma_wait3A_243 = arith.constant 0 : i32
        %dma_wait3A_244 = tpu.memref_slice %arg8[%dma_wait3A_242, %dma_wait3A_243] : memref<10000x16xf32, #tpu.memory_space<vmem_shared>> -> memref<10000x16xf32, #tpu.memory_space<vmem_shared>>
        tpu.wait_indirect_dma semaphore(%arg17 : memref<!tpu.dma_semaphore, #tpu.memory_space<semaphore_mem>>) src(%arg13 : memref<80x16xf32, #tpu.memory_space<vmem>>) dst(%dma_wait3A_244 : memref<10000x16xf32, #tpu.memory_space<vmem_shared>>)
      } else {
      }
      %add3A_229 = arith.constant 1 : i32
      %add3A_230 = arith.addi %mul3A_181, %add3A_229 : i32
      %dma_start3A_231 = arith.constant 0 : i32
      %dma_start3A_232 = tpu.memref_slice %arg10[%add3A_230, %dma_start3A_231] : memref<63x80xi32, #tpu.memory_space<vmem>> -> memref<1x80xi32, #tpu.memory_space<vmem>>
      %dma_start3A_233 = tpu.memref_squeeze %dma_start3A_232 : memref<1x80xi32, #tpu.memory_space<vmem>> -> memref<80xi32, #tpu.memory_space<vmem>>
      %dma_start3A_234 = arith.constant 0 : i32
      %dma_start3A_235 = arith.constant 0 : i32
      %dma_start3A_236 = tpu.memref_slice %arg8[%dma_start3A_234, %dma_start3A_235] : memref<10000x16xf32, #tpu.memory_space<vmem_shared>> -> memref<10000x16xf32, #tpu.memory_space<vmem_shared>>
      tpu.enqueue_indirect_dma source(%arg13 : memref<80x16xf32, #tpu.memory_space<vmem>>) target(%dma_start3A_236 : memref<10000x16xf32, #tpu.memory_space<vmem_shared>>) offsets(%dma_start3A_233 : memref<80xi32, #tpu.memory_space<vmem>>) semaphore(%arg17 : memref<!tpu.dma_semaphore, #tpu.memory_space<semaphore_mem>>) {add = true}
      %scan3A_237 = arith.constant 0 : i32
      scf.yield %scan3A_237 : i32
    }
    %scan3A_71 = arith.constant 31 : i32
    %dma_wait3A = arith.constant 4960 : i32
    %dma_wait3A_72 = tpu.memref_slice %arg9[%dma_wait3A] : memref<10000xi32, #tpu.memory_space<vmem>> -> memref<80xi32, #tpu.memory_space<vmem>>
    %dma_wait3A_73 = arith.constant 0 : i32
    %dma_wait3A_74 = arith.constant 0 : i32
    %dma_wait3A_75 = tpu.memref_slice %arg2[%dma_wait3A_73, %dma_wait3A_74] : memref<10000x128xf32, #tpu.memory_space<hbm>> -> memref<10000x128xf32, #tpu.memory_space<hbm>>
    tpu.wait_indirect_dma semaphore(%arg14 : memref<!tpu.dma_semaphore, #tpu.memory_space<semaphore_mem>>) src(%dma_wait3A_75 : memref<10000x128xf32, #tpu.memory_space<hbm>>) dst(%arg11 : memref<80x128xf32, #tpu.memory_space<vmem>>)
    %run_scoped3A = arith.constant 62 : i32
    "tpu.region"() ({
      %run_scoped3A_178 = tpu.sem_alloc : memref<!tpu.dma_semaphore, #tpu.memory_space<semaphore_mem>>
      %dma_start3A_179 = arith.constant 0 : i32
      %dma_start3A_180 = tpu.memref_slice %arg10[%run_scoped3A, %dma_start3A_179] : memref<63x80xi32, #tpu.memory_space<vmem>> -> memref<1x80xi32, #tpu.memory_space<vmem>>
      %dma_start3A_181 = tpu.memref_squeeze %dma_start3A_180 : memref<1x80xi32, #tpu.memory_space<vmem>> -> memref<80xi32, #tpu.memory_space<vmem>>
      %dma_start3A_182 = arith.constant 0 : i32
      %dma_start3A_183 = arith.constant 0 : i32
      %dma_start3A_184 = tpu.memref_slice %arg7[%dma_start3A_182, %dma_start3A_183] : memref<10000x128xf32, #tpu.memory_space<vmem_shared>> -> memref<10000x128xf32, #tpu.memory_space<vmem_shared>>
      tpu.enqueue_indirect_dma source(%arg11 : memref<80x128xf32, #tpu.memory_space<vmem>>) target(%dma_start3A_184 : memref<10000x128xf32, #tpu.memory_space<vmem_shared>>) offsets(%dma_start3A_181 : memref<80xi32, #tpu.memory_space<vmem>>) semaphore(%run_scoped3A_178 : memref<!tpu.dma_semaphore, #tpu.memory_space<semaphore_mem>>) {add = true}
      %dma_wait3A_185 = arith.constant 0 : i32
      %dma_wait3A_186 = tpu.memref_slice %arg10[%run_scoped3A, %dma_wait3A_185] : memref<63x80xi32, #tpu.memory_space<vmem>> -> memref<1x80xi32, #tpu.memory_space<vmem>>
      %dma_wait3A_187 = tpu.memref_squeeze %dma_wait3A_186 : memref<1x80xi32, #tpu.memory_space<vmem>> -> memref<80xi32, #tpu.memory_space<vmem>>
      %dma_wait3A_188 = arith.constant 0 : i32
      %dma_wait3A_189 = arith.constant 0 : i32
      %dma_wait3A_190 = tpu.memref_slice %arg7[%dma_wait3A_188, %dma_wait3A_189] : memref<10000x128xf32, #tpu.memory_space<vmem_shared>> -> memref<10000x128xf32, #tpu.memory_space<vmem_shared>>
      tpu.wait_indirect_dma semaphore(%run_scoped3A_178 : memref<!tpu.dma_semaphore, #tpu.memory_space<semaphore_mem>>) src(%arg11 : memref<80x128xf32, #tpu.memory_space<vmem>>) dst(%dma_wait3A_190 : memref<10000x128xf32, #tpu.memory_space<vmem_shared>>)
      tpu.yield
    }) : () -> ()
    %dma_wait3A_76 = arith.constant 60 : i32
    %dma_wait3A_77 = arith.constant 0 : i32
    %dma_wait3A_78 = tpu.memref_slice %arg10[%dma_wait3A_76, %dma_wait3A_77] : memref<63x80xi32, #tpu.memory_space<vmem>> -> memref<1x80xi32, #tpu.memory_space<vmem>>
    %dma_wait3A_79 = tpu.memref_squeeze %dma_wait3A_78 : memref<1x80xi32, #tpu.memory_space<vmem>> -> memref<80xi32, #tpu.memory_space<vmem>>
    %dma_wait3A_80 = arith.constant 0 : i32
    %dma_wait3A_81 = arith.constant 0 : i32
    %dma_wait3A_82 = tpu.memref_slice %arg8[%dma_wait3A_80, %dma_wait3A_81] : memref<10000x16xf32, #tpu.memory_space<vmem_shared>> -> memref<10000x16xf32, #tpu.memory_space<vmem_shared>>
    tpu.wait_indirect_dma semaphore(%arg16 : memref<!tpu.dma_semaphore, #tpu.memory_space<semaphore_mem>>) src(%arg13 : memref<80x16xf32, #tpu.memory_space<vmem>>) dst(%dma_wait3A_82 : memref<10000x16xf32, #tpu.memory_space<vmem_shared>>)
    %dma_start3A_83 = arith.constant 62 : i32
    %dma_start3A_84 = arith.constant 0 : i32
    %dma_start3A_85 = tpu.memref_slice %arg10[%dma_start3A_83, %dma_start3A_84] : memref<63x80xi32, #tpu.memory_space<vmem>> -> memref<1x80xi32, #tpu.memory_space<vmem>>
    %dma_start3A_86 = tpu.memref_squeeze %dma_start3A_85 : memref<1x80xi32, #tpu.memory_space<vmem>> -> memref<80xi32, #tpu.memory_space<vmem>>
    %dma_start3A_87 = arith.constant 0 : i32
    %dma_start3A_88 = arith.constant 0 : i32
    %dma_start3A_89 = tpu.memref_slice %arg8[%dma_start3A_87, %dma_start3A_88] : memref<10000x16xf32, #tpu.memory_space<vmem_shared>> -> memref<10000x16xf32, #tpu.memory_space<vmem_shared>>
    tpu.enqueue_indirect_dma source(%arg13 : memref<80x16xf32, #tpu.memory_space<vmem>>) target(%dma_start3A_89 : memref<10000x16xf32, #tpu.memory_space<vmem_shared>>) offsets(%dma_start3A_86 : memref<80xi32, #tpu.memory_space<vmem>>) semaphore(%arg16 : memref<!tpu.dma_semaphore, #tpu.memory_space<semaphore_mem>>) {add = true}
    %dma_wait3A_90 = arith.constant 0 : i32
    %dma_wait3A_91 = arith.constant 0 : i32
    %dma_wait3A_92 = tpu.memref_slice %arg10[%dma_wait3A_90, %dma_wait3A_91] : memref<63x80xi32, #tpu.memory_space<vmem>> -> memref<1x80xi32, #tpu.memory_space<vmem>>
    %dma_wait3A_93 = tpu.memref_squeeze %dma_wait3A_92 : memref<1x80xi32, #tpu.memory_space<vmem>> -> memref<80xi32, #tpu.memory_space<vmem>>
    %dma_wait3A_94 = arith.constant 0 : i32
    %dma_wait3A_95 = arith.constant 0 : i32
    %dma_wait3A_96 = tpu.memref_slice %arg8[%dma_wait3A_94, %dma_wait3A_95] : memref<10000x16xf32, #tpu.memory_space<vmem_shared>> -> memref<10000x16xf32, #tpu.memory_space<vmem_shared>>
    tpu.wait_indirect_dma semaphore(%arg16 : memref<!tpu.dma_semaphore, #tpu.memory_space<semaphore_mem>>) src(%arg13 : memref<80x16xf32, #tpu.memory_space<vmem>>) dst(%dma_wait3A_96 : memref<10000x16xf32, #tpu.memory_space<vmem_shared>>)
    %dma_wait3A_97 = arith.constant 0 : i32
    %dma_wait3A_98 = arith.constant 0 : i32
    %dma_wait3A_99 = tpu.memref_slice %arg10[%dma_wait3A_97, %dma_wait3A_98] : memref<63x80xi32, #tpu.memory_space<vmem>> -> memref<1x80xi32, #tpu.memory_space<vmem>>
    %dma_wait3A_100 = tpu.memref_squeeze %dma_wait3A_99 : memref<1x80xi32, #tpu.memory_space<vmem>> -> memref<80xi32, #tpu.memory_space<vmem>>
    %dma_wait3A_101 = arith.constant 0 : i32
    %dma_wait3A_102 = arith.constant 0 : i32
    %dma_wait3A_103 = tpu.memref_slice %arg8[%dma_wait3A_101, %dma_wait3A_102] : memref<10000x16xf32, #tpu.memory_space<vmem_shared>> -> memref<10000x16xf32, #tpu.memory_space<vmem_shared>>
    tpu.wait_indirect_dma semaphore(%arg17 : memref<!tpu.dma_semaphore, #tpu.memory_space<semaphore_mem>>) src(%arg13 : memref<80x16xf32, #tpu.memory_space<vmem>>) dst(%dma_wait3A_103 : memref<10000x16xf32, #tpu.memory_space<vmem_shared>>)
    "tpu.region"() ({
      %run_scoped3A_178 = tpu.sem_alloc : memref<!tpu.dma_semaphore, #tpu.memory_space<semaphore_mem>>
      %dma_start3A_179 = arith.constant 0 : i32
      %dma_start3A_180 = arith.constant 0 : i32
      %dma_start3A_181 = tpu.memref_slice %arg10[%dma_start3A_179, %dma_start3A_180] : memref<63x80xi32, #tpu.memory_space<vmem>> -> memref<62x80xi32, #tpu.memory_space<vmem>>
      %dma_start3A_182 = arith.constant 63 : i32
      %dma_start3A_183 = arith.constant 0 : i32
      %dma_start3A_184 = tpu.memref_slice %arg4[%add3A, %dma_start3A_182, %dma_start3A_183] : memref<32x125x80xi32, #tpu.memory_space<hbm>> -> memref<1x62x80xi32, #tpu.memory_space<hbm>>
      %dma_start3A_185 = tpu.memref_squeeze %dma_start3A_184 : memref<1x62x80xi32, #tpu.memory_space<hbm>> -> memref<62x80xi32, #tpu.memory_space<hbm>>
      %dma_start3A_186 = arith.constant 0 : i32
      %dma_start3A_187 = arith.constant 0 : i32
      %dma_start3A_188 = tpu.memref_slice %arg10[%dma_start3A_186, %dma_start3A_187] : memref<63x80xi32, #tpu.memory_space<vmem>> -> memref<62x80xi32, #tpu.memory_space<vmem>>
      %dma_start3A_189 = arith.constant 63 : i32
      %dma_start3A_190 = arith.constant 0 : i32
      %dma_start3A_191 = tpu.memref_slice %arg4[%add3A, %dma_start3A_189, %dma_start3A_190] : memref<32x125x80xi32, #tpu.memory_space<hbm>> -> memref<1x62x80xi32, #tpu.memory_space<hbm>>
      %dma_start3A_192 = tpu.memref_squeeze %dma_start3A_191 : memref<1x62x80xi32, #tpu.memory_space<hbm>> -> memref<62x80xi32, #tpu.memory_space<hbm>>
      tpu.enqueue_dma source(%dma_start3A_192 : memref<62x80xi32, #tpu.memory_space<hbm>>) target(%dma_start3A_188 : memref<62x80xi32, #tpu.memory_space<vmem>>) target_semaphore(%run_scoped3A_178 : memref<!tpu.dma_semaphore, #tpu.memory_space<semaphore_mem>>)
      %dma_wait3A_193 = arith.constant 0 : i32
      %dma_wait3A_194 = arith.constant 0 : i32
      %dma_wait3A_195 = tpu.memref_slice %arg10[%dma_wait3A_193, %dma_wait3A_194] : memref<63x80xi32, #tpu.memory_space<vmem>> -> memref<62x80xi32, #tpu.memory_space<vmem>>
      %dma_wait3A_196 = arith.constant 63 : i32
      %dma_wait3A_197 = arith.constant 0 : i32
      %dma_wait3A_198 = tpu.memref_slice %arg4[%add3A, %dma_wait3A_196, %dma_wait3A_197] : memref<32x125x80xi32, #tpu.memory_space<hbm>> -> memref<1x62x80xi32, #tpu.memory_space<hbm>>
      %dma_wait3A_199 = tpu.memref_squeeze %dma_wait3A_198 : memref<1x62x80xi32, #tpu.memory_space<hbm>> -> memref<62x80xi32, #tpu.memory_space<hbm>>
      %dma_wait3A_200 = arith.constant 0 : i32
      %dma_wait3A_201 = arith.constant 0 : i32
      %dma_wait3A_202 = tpu.memref_slice %arg10[%dma_wait3A_200, %dma_wait3A_201] : memref<63x80xi32, #tpu.memory_space<vmem>> -> memref<62x80xi32, #tpu.memory_space<vmem>>
      %dma_wait3A_203 = arith.constant 63 : i32
      %dma_wait3A_204 = arith.constant 0 : i32
      %dma_wait3A_205 = tpu.memref_slice %arg4[%add3A, %dma_wait3A_203, %dma_wait3A_204] : memref<32x125x80xi32, #tpu.memory_space<hbm>> -> memref<1x62x80xi32, #tpu.memory_space<hbm>>
      %dma_wait3A_206 = tpu.memref_squeeze %dma_wait3A_205 : memref<1x62x80xi32, #tpu.memory_space<hbm>> -> memref<62x80xi32, #tpu.memory_space<hbm>>
      tpu.wait_dma2 semaphore(%run_scoped3A_178 : memref<!tpu.dma_semaphore, #tpu.memory_space<semaphore_mem>>) src(%dma_wait3A_206 : memref<62x80xi32, #tpu.memory_space<hbm>>) dst(%dma_wait3A_202 : memref<62x80xi32, #tpu.memory_space<vmem>>)
      tpu.yield
    }) : () -> ()
    %dma_start3A_104 = arith.constant 5040 : i32
    %dma_start3A_105 = tpu.memref_slice %arg9[%dma_start3A_104] : memref<10000xi32, #tpu.memory_space<vmem>> -> memref<80xi32, #tpu.memory_space<vmem>>
    %dma_start3A_106 = arith.constant 0 : i32
    %dma_start3A_107 = arith.constant 0 : i32
    %dma_start3A_108 = tpu.memref_slice %arg2[%dma_start3A_106, %dma_start3A_107] : memref<10000x128xf32, #tpu.memory_space<hbm>> -> memref<10000x128xf32, #tpu.memory_space<hbm>>
    tpu.enqueue_indirect_dma source(%dma_start3A_108 : memref<10000x128xf32, #tpu.memory_space<hbm>>) target(%arg12 : memref<80x128xf32, #tpu.memory_space<vmem>>) offsets(%dma_start3A_105 : memref<80xi32, #tpu.memory_space<vmem>>) semaphore(%arg15 : memref<!tpu.dma_semaphore, #tpu.memory_space<semaphore_mem>>)
    %scan3A_109 = arith.constant 0 : i32
    %scan3A_110 = arith.constant 0 : i32
    %scan3A_111 = arith.constant 31 : i32
    %scan3A_112 = arith.addi %scan3A_110, %scan3A_111 : i32
    %scan3A_113 = arith.constant 1 : i32
    %scan3A_114 = scf.for %scan3A_178 = %scan3A_110 to %scan3A_112 step %scan3A_113 iter_args(%scan3A_179 = %scan3A_109) -> (i32)  : i32 {
      %mul3A_180 = arith.constant 2 : i32
      %mul3A_181 = arith.muli %mul3A_180, %scan3A_178 : i32
      %add3A_182 = arith.constant 63 : i32
      %add3A_183 = arith.addi %add3A_182, %mul3A_181 : i32
      %add3A_184 = arith.constant 1 : i32
      %add3A_185 = arith.addi %add3A_183, %add3A_184 : i32
      %mul3A_186 = arith.constant 80 : i32
      %mul3A_187 = arith.muli %add3A_185, %mul3A_186 : i32
      %dma_start3A_188 = tpu.memref_slice %arg9[%mul3A_187] : memref<10000xi32, #tpu.memory_space<vmem>> -> memref<80xi32, #tpu.memory_space<vmem>>
      %dma_start3A_189 = arith.constant 0 : i32
      %dma_start3A_190 = arith.constant 0 : i32
      %dma_start3A_191 = tpu.memref_slice %arg2[%dma_start3A_189, %dma_start3A_190] : memref<10000x128xf32, #tpu.memory_space<hbm>> -> memref<10000x128xf32, #tpu.memory_space<hbm>>
      tpu.enqueue_indirect_dma source(%dma_start3A_191 : memref<10000x128xf32, #tpu.memory_space<hbm>>) target(%arg11 : memref<80x128xf32, #tpu.memory_space<vmem>>) offsets(%dma_start3A_188 : memref<80xi32, #tpu.memory_space<vmem>>) semaphore(%arg14 : memref<!tpu.dma_semaphore, #tpu.memory_space<semaphore_mem>>)
      %add3A_192 = arith.constant 63 : i32
      %add3A_193 = arith.addi %add3A_192, %mul3A_181 : i32
      %mul3A_194 = arith.constant 80 : i32
      %mul3A_195 = arith.muli %add3A_193, %mul3A_194 : i32
      %dma_wait3A_196 = tpu.memref_slice %arg9[%mul3A_195] : memref<10000xi32, #tpu.memory_space<vmem>> -> memref<80xi32, #tpu.memory_space<vmem>>
      %dma_wait3A_197 = arith.constant 0 : i32
      %dma_wait3A_198 = arith.constant 0 : i32
      %dma_wait3A_199 = tpu.memref_slice %arg2[%dma_wait3A_197, %dma_wait3A_198] : memref<10000x128xf32, #tpu.memory_space<hbm>> -> memref<10000x128xf32, #tpu.memory_space<hbm>>
      tpu.wait_indirect_dma semaphore(%arg15 : memref<!tpu.dma_semaphore, #tpu.memory_space<semaphore_mem>>) src(%dma_wait3A_199 : memref<10000x128xf32, #tpu.memory_space<hbm>>) dst(%arg12 : memref<80x128xf32, #tpu.memory_space<vmem>>)
      "tpu.region"() ({
        %run_scoped3A_243 = tpu.sem_alloc : memref<!tpu.dma_semaphore, #tpu.memory_space<semaphore_mem>>
        %dma_start3A_244 = arith.constant 0 : i32
        %dma_start3A_245 = tpu.memref_slice %arg10[%mul3A_181, %dma_start3A_244] : memref<63x80xi32, #tpu.memory_space<vmem>> -> memref<1x80xi32, #tpu.memory_space<vmem>>
        %dma_start3A_246 = tpu.memref_squeeze %dma_start3A_245 : memref<1x80xi32, #tpu.memory_space<vmem>> -> memref<80xi32, #tpu.memory_space<vmem>>
        %dma_start3A_247 = arith.constant 0 : i32
        %dma_start3A_248 = arith.constant 0 : i32
        %dma_start3A_249 = tpu.memref_slice %arg7[%dma_start3A_247, %dma_start3A_248] : memref<10000x128xf32, #tpu.memory_space<vmem_shared>> -> memref<10000x128xf32, #tpu.memory_space<vmem_shared>>
        tpu.enqueue_indirect_dma source(%arg12 : memref<80x128xf32, #tpu.memory_space<vmem>>) target(%dma_start3A_249 : memref<10000x128xf32, #tpu.memory_space<vmem_shared>>) offsets(%dma_start3A_246 : memref<80xi32, #tpu.memory_space<vmem>>) semaphore(%run_scoped3A_243 : memref<!tpu.dma_semaphore, #tpu.memory_space<semaphore_mem>>) {add = true}
        %dma_wait3A_250 = arith.constant 0 : i32
        %dma_wait3A_251 = tpu.memref_slice %arg10[%mul3A_181, %dma_wait3A_250] : memref<63x80xi32, #tpu.memory_space<vmem>> -> memref<1x80xi32, #tpu.memory_space<vmem>>
        %dma_wait3A_252 = tpu.memref_squeeze %dma_wait3A_251 : memref<1x80xi32, #tpu.memory_space<vmem>> -> memref<80xi32, #tpu.memory_space<vmem>>
        %dma_wait3A_253 = arith.constant 0 : i32
        %dma_wait3A_254 = arith.constant 0 : i32
        %dma_wait3A_255 = tpu.memref_slice %arg7[%dma_wait3A_253, %dma_wait3A_254] : memref<10000x128xf32, #tpu.memory_space<vmem_shared>> -> memref<10000x128xf32, #tpu.memory_space<vmem_shared>>
        tpu.wait_indirect_dma semaphore(%run_scoped3A_243 : memref<!tpu.dma_semaphore, #tpu.memory_space<semaphore_mem>>) src(%arg12 : memref<80x128xf32, #tpu.memory_space<vmem>>) dst(%dma_wait3A_255 : memref<10000x128xf32, #tpu.memory_space<vmem_shared>>)
        tpu.yield
      }) : () -> ()
      %ge3A = arith.constant 2 : i32
      %ge3A_200 = arith.cmpi sge, %mul3A_181, %ge3A : i32
      %convert_element_type3A_201 = arith.extui %ge3A_200 : i1 to i32
      %cond3A_202 = arith.constant 0 : i32
      %cond3A_203 = arith.cmpi ne, %convert_element_type3A_201, %cond3A_202 : i32
      scf.if %cond3A_203 {
        %sub3A = arith.constant 2 : i32
        %sub3A_243 = arith.subi %mul3A_181, %sub3A : i32
        %dma_wait3A_244 = arith.constant 0 : i32
        %dma_wait3A_245 = tpu.memref_slice %arg10[%sub3A_243, %dma_wait3A_244] : memref<63x80xi32, #tpu.memory_space<vmem>> -> memref<1x80xi32, #tpu.memory_space<vmem>>
        %dma_wait3A_246 = tpu.memref_squeeze %dma_wait3A_245 : memref<1x80xi32, #tpu.memory_space<vmem>> -> memref<80xi32, #tpu.memory_space<vmem>>
        %dma_wait3A_247 = arith.constant 0 : i32
        %dma_wait3A_248 = arith.constant 0 : i32
        %dma_wait3A_249 = tpu.memref_slice %arg8[%dma_wait3A_247, %dma_wait3A_248] : memref<10000x16xf32, #tpu.memory_space<vmem_shared>> -> memref<10000x16xf32, #tpu.memory_space<vmem_shared>>
        tpu.wait_indirect_dma semaphore(%arg16 : memref<!tpu.dma_semaphore, #tpu.memory_space<semaphore_mem>>) src(%arg13 : memref<80x16xf32, #tpu.memory_space<vmem>>) dst(%dma_wait3A_249 : memref<10000x16xf32, #tpu.memory_space<vmem_shared>>)
      } else {
      }
      %dma_start3A_204 = arith.constant 0 : i32
      %dma_start3A_205 = tpu.memref_slice %arg10[%mul3A_181, %dma_start3A_204] : memref<63x80xi32, #tpu.memory_space<vmem>> -> memref<1x80xi32, #tpu.memory_space<vmem>>
      %dma_start3A_206 = tpu.memref_squeeze %dma_start3A_205 : memref<1x80xi32, #tpu.memory_space<vmem>> -> memref<80xi32, #tpu.memory_space<vmem>>
      %dma_start3A_207 = arith.constant 0 : i32
      %dma_start3A_208 = arith.constant 0 : i32
      %dma_start3A_209 = tpu.memref_slice %arg8[%dma_start3A_207, %dma_start3A_208] : memref<10000x16xf32, #tpu.memory_space<vmem_shared>> -> memref<10000x16xf32, #tpu.memory_space<vmem_shared>>
      tpu.enqueue_indirect_dma source(%arg13 : memref<80x16xf32, #tpu.memory_space<vmem>>) target(%dma_start3A_209 : memref<10000x16xf32, #tpu.memory_space<vmem_shared>>) offsets(%dma_start3A_206 : memref<80xi32, #tpu.memory_space<vmem>>) semaphore(%arg16 : memref<!tpu.dma_semaphore, #tpu.memory_space<semaphore_mem>>) {add = true}
      %add3A_210 = arith.constant 2 : i32
      %add3A_211 = arith.addi %mul3A_181, %add3A_210 : i32
      %lt3A_212 = arith.constant 62 : i32
      %lt3A_213 = arith.cmpi slt, %add3A_211, %lt3A_212 : i32
      %convert_element_type3A_214 = arith.extui %lt3A_213 : i1 to i32
      %cond3A_215 = arith.constant 0 : i32
      %cond3A_216 = arith.cmpi ne, %convert_element_type3A_214, %cond3A_215 : i32
      scf.if %cond3A_216 {
        %add3A_243 = arith.constant 63 : i32
        %add3A_244 = arith.addi %add3A_243, %mul3A_181 : i32
        %add3A_245 = arith.constant 2 : i32
        %add3A_246 = arith.addi %add3A_244, %add3A_245 : i32
        %mul3A_247 = arith.constant 80 : i32
        %mul3A_248 = arith.muli %add3A_246, %mul3A_247 : i32
        %dma_start3A_249 = tpu.memref_slice %arg9[%mul3A_248] : memref<10000xi32, #tpu.memory_space<vmem>> -> memref<80xi32, #tpu.memory_space<vmem>>
        %dma_start3A_250 = arith.constant 0 : i32
        %dma_start3A_251 = arith.constant 0 : i32
        %dma_start3A_252 = tpu.memref_slice %arg2[%dma_start3A_250, %dma_start3A_251] : memref<10000x128xf32, #tpu.memory_space<hbm>> -> memref<10000x128xf32, #tpu.memory_space<hbm>>
        tpu.enqueue_indirect_dma source(%dma_start3A_252 : memref<10000x128xf32, #tpu.memory_space<hbm>>) target(%arg12 : memref<80x128xf32, #tpu.memory_space<vmem>>) offsets(%dma_start3A_249 : memref<80xi32, #tpu.memory_space<vmem>>) semaphore(%arg15 : memref<!tpu.dma_semaphore, #tpu.memory_space<semaphore_mem>>)
      } else {
      }
      %add3A_217 = arith.constant 63 : i32
      %add3A_218 = arith.addi %add3A_217, %mul3A_181 : i32
      %add3A_219 = arith.constant 1 : i32
      %add3A_220 = arith.addi %add3A_218, %add3A_219 : i32
      %mul3A_221 = arith.constant 80 : i32
      %mul3A_222 = arith.muli %add3A_220, %mul3A_221 : i32
      %dma_wait3A_223 = tpu.memref_slice %arg9[%mul3A_222] : memref<10000xi32, #tpu.memory_space<vmem>> -> memref<80xi32, #tpu.memory_space<vmem>>
      %dma_wait3A_224 = arith.constant 0 : i32
      %dma_wait3A_225 = arith.constant 0 : i32
      %dma_wait3A_226 = tpu.memref_slice %arg2[%dma_wait3A_224, %dma_wait3A_225] : memref<10000x128xf32, #tpu.memory_space<hbm>> -> memref<10000x128xf32, #tpu.memory_space<hbm>>
      tpu.wait_indirect_dma semaphore(%arg14 : memref<!tpu.dma_semaphore, #tpu.memory_space<semaphore_mem>>) src(%dma_wait3A_226 : memref<10000x128xf32, #tpu.memory_space<hbm>>) dst(%arg11 : memref<80x128xf32, #tpu.memory_space<vmem>>)
      %add3A_227 = arith.constant 1 : i32
      %add3A_228 = arith.addi %mul3A_181, %add3A_227 : i32
      "tpu.region"() ({
        %run_scoped3A_243 = tpu.sem_alloc : memref<!tpu.dma_semaphore, #tpu.memory_space<semaphore_mem>>
        %dma_start3A_244 = arith.constant 0 : i32
        %dma_start3A_245 = tpu.memref_slice %arg10[%add3A_228, %dma_start3A_244] : memref<63x80xi32, #tpu.memory_space<vmem>> -> memref<1x80xi32, #tpu.memory_space<vmem>>
        %dma_start3A_246 = tpu.memref_squeeze %dma_start3A_245 : memref<1x80xi32, #tpu.memory_space<vmem>> -> memref<80xi32, #tpu.memory_space<vmem>>
        %dma_start3A_247 = arith.constant 0 : i32
        %dma_start3A_248 = arith.constant 0 : i32
        %dma_start3A_249 = tpu.memref_slice %arg7[%dma_start3A_247, %dma_start3A_248] : memref<10000x128xf32, #tpu.memory_space<vmem_shared>> -> memref<10000x128xf32, #tpu.memory_space<vmem_shared>>
        tpu.enqueue_indirect_dma source(%arg11 : memref<80x128xf32, #tpu.memory_space<vmem>>) target(%dma_start3A_249 : memref<10000x128xf32, #tpu.memory_space<vmem_shared>>) offsets(%dma_start3A_246 : memref<80xi32, #tpu.memory_space<vmem>>) semaphore(%run_scoped3A_243 : memref<!tpu.dma_semaphore, #tpu.memory_space<semaphore_mem>>) {add = true}
        %dma_wait3A_250 = arith.constant 0 : i32
        %dma_wait3A_251 = tpu.memref_slice %arg10[%add3A_228, %dma_wait3A_250] : memref<63x80xi32, #tpu.memory_space<vmem>> -> memref<1x80xi32, #tpu.memory_space<vmem>>
        %dma_wait3A_252 = tpu.memref_squeeze %dma_wait3A_251 : memref<1x80xi32, #tpu.memory_space<vmem>> -> memref<80xi32, #tpu.memory_space<vmem>>
        %dma_wait3A_253 = arith.constant 0 : i32
        %dma_wait3A_254 = arith.constant 0 : i32
        %dma_wait3A_255 = tpu.memref_slice %arg7[%dma_wait3A_253, %dma_wait3A_254] : memref<10000x128xf32, #tpu.memory_space<vmem_shared>> -> memref<10000x128xf32, #tpu.memory_space<vmem_shared>>
        tpu.wait_indirect_dma semaphore(%run_scoped3A_243 : memref<!tpu.dma_semaphore, #tpu.memory_space<semaphore_mem>>) src(%arg11 : memref<80x128xf32, #tpu.memory_space<vmem>>) dst(%dma_wait3A_255 : memref<10000x128xf32, #tpu.memory_space<vmem_shared>>)
        tpu.yield
      }) : () -> ()
      %ge3A_229 = arith.constant 1 : i32
      %ge3A_230 = arith.cmpi sge, %mul3A_181, %ge3A_229 : i32
      %convert_element_type3A_231 = arith.extui %ge3A_230 : i1 to i32
      %cond3A_232 = arith.constant 0 : i32
      %cond3A_233 = arith.cmpi ne, %convert_element_type3A_231, %cond3A_232 : i32
      scf.if %cond3A_233 {
        %sub3A = arith.constant 1 : i32
        %sub3A_243 = arith.subi %mul3A_181, %sub3A : i32
        %dma_wait3A_244 = arith.constant 0 : i32
        %dma_wait3A_245 = tpu.memref_slice %arg10[%sub3A_243, %dma_wait3A_244] : memref<63x80xi32, #tpu.memory_space<vmem>> -> memref<1x80xi32, #tpu.memory_space<vmem>>
        %dma_wait3A_246 = tpu.memref_squeeze %dma_wait3A_245 : memref<1x80xi32, #tpu.memory_space<vmem>> -> memref<80xi32, #tpu.memory_space<vmem>>
        %dma_wait3A_247 = arith.constant 0 : i32
        %dma_wait3A_248 = arith.constant 0 : i32
        %dma_wait3A_249 = tpu.memref_slice %arg8[%dma_wait3A_247, %dma_wait3A_248] : memref<10000x16xf32, #tpu.memory_space<vmem_shared>> -> memref<10000x16xf32, #tpu.memory_space<vmem_shared>>
        tpu.wait_indirect_dma semaphore(%arg17 : memref<!tpu.dma_semaphore, #tpu.memory_space<semaphore_mem>>) src(%arg13 : memref<80x16xf32, #tpu.memory_space<vmem>>) dst(%dma_wait3A_249 : memref<10000x16xf32, #tpu.memory_space<vmem_shared>>)
      } else {
      }
      %add3A_234 = arith.constant 1 : i32
      %add3A_235 = arith.addi %mul3A_181, %add3A_234 : i32
      %dma_start3A_236 = arith.constant 0 : i32
      %dma_start3A_237 = tpu.memref_slice %arg10[%add3A_235, %dma_start3A_236] : memref<63x80xi32, #tpu.memory_space<vmem>> -> memref<1x80xi32, #tpu.memory_space<vmem>>
      %dma_start3A_238 = tpu.memref_squeeze %dma_start3A_237 : memref<1x80xi32, #tpu.memory_space<vmem>> -> memref<80xi32, #tpu.memory_space<vmem>>
      %dma_start3A_239 = arith.constant 0 : i32
      %dma_start3A_240 = arith.constant 0 : i32
      %dma_start3A_241 = tpu.memref_slice %arg8[%dma_start3A_239, %dma_start3A_240] : memref<10000x16xf32, #tpu.memory_space<vmem_shared>> -> memref<10000x16xf32, #tpu.memory_space<vmem_shared>>
      tpu.enqueue_indirect_dma source(%arg13 : memref<80x16xf32, #tpu.memory_space<vmem>>) target(%dma_start3A_241 : memref<10000x16xf32, #tpu.memory_space<vmem_shared>>) offsets(%dma_start3A_238 : memref<80xi32, #tpu.memory_space<vmem>>) semaphore(%arg17 : memref<!tpu.dma_semaphore, #tpu.memory_space<semaphore_mem>>) {add = true}
      %scan3A_242 = arith.constant 0 : i32
      scf.yield %scan3A_242 : i32
    }
    %scan3A_115 = arith.constant 31 : i32
    %dma_wait3A_116 = arith.constant 0 : i32
    %dma_wait3A_117 = arith.constant 0 : i32
    %dma_wait3A_118 = tpu.memref_slice %arg10[%dma_wait3A_116, %dma_wait3A_117] : memref<63x80xi32, #tpu.memory_space<vmem>> -> memref<1x80xi32, #tpu.memory_space<vmem>>
    %dma_wait3A_119 = tpu.memref_squeeze %dma_wait3A_118 : memref<1x80xi32, #tpu.memory_space<vmem>> -> memref<80xi32, #tpu.memory_space<vmem>>
    %dma_wait3A_120 = arith.constant 0 : i32
    %dma_wait3A_121 = arith.constant 0 : i32
    %dma_wait3A_122 = tpu.memref_slice %arg8[%dma_wait3A_120, %dma_wait3A_121] : memref<10000x16xf32, #tpu.memory_space<vmem_shared>> -> memref<10000x16xf32, #tpu.memory_space<vmem_shared>>
    tpu.wait_indirect_dma semaphore(%arg16 : memref<!tpu.dma_semaphore, #tpu.memory_space<semaphore_mem>>) src(%arg13 : memref<80x16xf32, #tpu.memory_space<vmem>>) dst(%dma_wait3A_122 : memref<10000x16xf32, #tpu.memory_space<vmem_shared>>)
    %dma_wait3A_123 = arith.constant 0 : i32
    %dma_wait3A_124 = arith.constant 0 : i32
    %dma_wait3A_125 = tpu.memref_slice %arg10[%dma_wait3A_123, %dma_wait3A_124] : memref<63x80xi32, #tpu.memory_space<vmem>> -> memref<1x80xi32, #tpu.memory_space<vmem>>
    %dma_wait3A_126 = tpu.memref_squeeze %dma_wait3A_125 : memref<1x80xi32, #tpu.memory_space<vmem>> -> memref<80xi32, #tpu.memory_space<vmem>>
    %dma_wait3A_127 = arith.constant 0 : i32
    %dma_wait3A_128 = arith.constant 0 : i32
    %dma_wait3A_129 = tpu.memref_slice %arg8[%dma_wait3A_127, %dma_wait3A_128] : memref<10000x16xf32, #tpu.memory_space<vmem_shared>> -> memref<10000x16xf32, #tpu.memory_space<vmem_shared>>
    tpu.wait_indirect_dma semaphore(%arg17 : memref<!tpu.dma_semaphore, #tpu.memory_space<semaphore_mem>>) src(%arg13 : memref<80x16xf32, #tpu.memory_space<vmem>>) dst(%dma_wait3A_129 : memref<10000x16xf32, #tpu.memory_space<vmem_shared>>)
    %barrier3A_130 = arith.constant 0 : index
    tpu.barrier barrier_id(%barrier3A_130)
    %mul3A_131 = arith.constant 640 : i32
    %mul3A_132 = arith.muli %arg1, %mul3A_131 : i32
    %add3A_133 = arith.constant 0 : i32
    %add3A_134 = arith.addi %mul3A_132, %add3A_133 : i32
    "tpu.region"() ({
      %run_scoped3A_178 = tpu.sem_alloc : memref<!tpu.dma_semaphore, #tpu.memory_space<semaphore_mem>>
      %dma_start3A_179 = arith.constant 0 : i32
      %dma_start3A_180 = tpu.memref_slice %arg5[%arg0, %add3A_134, %dma_start3A_179] : memref<2x10000x128xf32, #tpu.memory_space<hbm>> -> memref<1x80x128xf32, #tpu.memory_space<hbm>>
      %dma_start3A_181 = tpu.memref_squeeze %dma_start3A_180 : memref<1x80x128xf32, #tpu.memory_space<hbm>> -> memref<80x128xf32, #tpu.memory_space<hbm>>
      %dma_start3A_182 = arith.constant 0 : i32
      %dma_start3A_183 = tpu.memref_slice %arg7[%add3A_134, %dma_start3A_182] : memref<10000x128xf32, #tpu.memory_space<vmem_shared>> -> memref<80x128xf32, #tpu.memory_space<vmem_shared>>
      tpu.enqueue_dma source(%dma_start3A_183 : memref<80x128xf32, #tpu.memory_space<vmem_shared>>) target(%dma_start3A_181 : memref<80x128xf32, #tpu.memory_space<hbm>>) target_semaphore(%run_scoped3A_178 : memref<!tpu.dma_semaphore, #tpu.memory_space<semaphore_mem>>)
      %dma_wait3A_184 = arith.constant 0 : i32
      %dma_wait3A_185 = tpu.memref_slice %arg5[%arg0, %add3A_134, %dma_wait3A_184] : memref<2x10000x128xf32, #tpu.memory_space<hbm>> -> memref<1x80x128xf32, #tpu.memory_space<hbm>>
      %dma_wait3A_186 = tpu.memref_squeeze %dma_wait3A_185 : memref<1x80x128xf32, #tpu.memory_space<hbm>> -> memref<80x128xf32, #tpu.memory_space<hbm>>
      %dma_wait3A_187 = arith.constant 0 : i32
      %dma_wait3A_188 = tpu.memref_slice %arg7[%add3A_134, %dma_wait3A_187] : memref<10000x128xf32, #tpu.memory_space<vmem_shared>> -> memref<80x128xf32, #tpu.memory_space<vmem_shared>>
      tpu.wait_dma2 semaphore(%run_scoped3A_178 : memref<!tpu.dma_semaphore, #tpu.memory_space<semaphore_mem>>) src(%dma_wait3A_188 : memref<80x128xf32, #tpu.memory_space<vmem_shared>>) dst(%dma_wait3A_186 : memref<80x128xf32, #tpu.memory_space<hbm>>)
      tpu.yield
    }) : () -> ()
    "tpu.region"() ({
      %run_scoped3A_178 = tpu.sem_alloc : memref<!tpu.dma_semaphore, #tpu.memory_space<semaphore_mem>>
      %dma_start3A_179 = arith.constant 0 : i32
      %dma_start3A_180 = tpu.memref_slice %arg6[%arg0, %add3A_134, %dma_start3A_179] : memref<2x10000x16xf32, #tpu.memory_space<hbm>> -> memref<1x80x16xf32, #tpu.memory_space<hbm>>
      %dma_start3A_181 = tpu.memref_squeeze %dma_start3A_180 : memref<1x80x16xf32, #tpu.memory_space<hbm>> -> memref<80x16xf32, #tpu.memory_space<hbm>>
      %dma_start3A_182 = arith.constant 0 : i32
      %dma_start3A_183 = tpu.memref_slice %arg8[%add3A_134, %dma_start3A_182] : memref<10000x16xf32, #tpu.memory_space<vmem_shared>> -> memref<80x16xf32, #tpu.memory_space<vmem_shared>>
      tpu.enqueue_dma source(%dma_start3A_183 : memref<80x16xf32, #tpu.memory_space<vmem_shared>>) target(%dma_start3A_181 : memref<80x16xf32, #tpu.memory_space<hbm>>) target_semaphore(%run_scoped3A_178 : memref<!tpu.dma_semaphore, #tpu.memory_space<semaphore_mem>>)
      %dma_wait3A_184 = arith.constant 0 : i32
      %dma_wait3A_185 = tpu.memref_slice %arg6[%arg0, %add3A_134, %dma_wait3A_184] : memref<2x10000x16xf32, #tpu.memory_space<hbm>> -> memref<1x80x16xf32, #tpu.memory_space<hbm>>
      %dma_wait3A_186 = tpu.memref_squeeze %dma_wait3A_185 : memref<1x80x16xf32, #tpu.memory_space<hbm>> -> memref<80x16xf32, #tpu.memory_space<hbm>>
      %dma_wait3A_187 = arith.constant 0 : i32
      %dma_wait3A_188 = tpu.memref_slice %arg8[%add3A_134, %dma_wait3A_187] : memref<10000x16xf32, #tpu.memory_space<vmem_shared>> -> memref<80x16xf32, #tpu.memory_space<vmem_shared>>
      tpu.wait_dma2 semaphore(%run_scoped3A_178 : memref<!tpu.dma_semaphore, #tpu.memory_space<semaphore_mem>>) src(%dma_wait3A_188 : memref<80x16xf32, #tpu.memory_space<vmem_shared>>) dst(%dma_wait3A_186 : memref<80x16xf32, #tpu.memory_space<hbm>>)
      tpu.yield
    }) : () -> ()
    %mul3A_135 = arith.constant 640 : i32
    %mul3A_136 = arith.muli %arg1, %mul3A_135 : i32
    %add3A_137 = arith.constant 80 : i32
    %add3A_138 = arith.addi %mul3A_136, %add3A_137 : i32
    "tpu.region"() ({
      %run_scoped3A_178 = tpu.sem_alloc : memref<!tpu.dma_semaphore, #tpu.memory_space<semaphore_mem>>
      %dma_start3A_179 = arith.constant 0 : i32
      %dma_start3A_180 = tpu.memref_slice %arg5[%arg0, %add3A_138, %dma_start3A_179] : memref<2x10000x128xf32, #tpu.memory_space<hbm>> -> memref<1x80x128xf32, #tpu.memory_space<hbm>>
      %dma_start3A_181 = tpu.memref_squeeze %dma_start3A_180 : memref<1x80x128xf32, #tpu.memory_space<hbm>> -> memref<80x128xf32, #tpu.memory_space<hbm>>
      %dma_start3A_182 = arith.constant 0 : i32
      %dma_start3A_183 = tpu.memref_slice %arg7[%add3A_138, %dma_start3A_182] : memref<10000x128xf32, #tpu.memory_space<vmem_shared>> -> memref<80x128xf32, #tpu.memory_space<vmem_shared>>
      tpu.enqueue_dma source(%dma_start3A_183 : memref<80x128xf32, #tpu.memory_space<vmem_shared>>) target(%dma_start3A_181 : memref<80x128xf32, #tpu.memory_space<hbm>>) target_semaphore(%run_scoped3A_178 : memref<!tpu.dma_semaphore, #tpu.memory_space<semaphore_mem>>)
      %dma_wait3A_184 = arith.constant 0 : i32
      %dma_wait3A_185 = tpu.memref_slice %arg5[%arg0, %add3A_138, %dma_wait3A_184] : memref<2x10000x128xf32, #tpu.memory_space<hbm>> -> memref<1x80x128xf32, #tpu.memory_space<hbm>>
      %dma_wait3A_186 = tpu.memref_squeeze %dma_wait3A_185 : memref<1x80x128xf32, #tpu.memory_space<hbm>> -> memref<80x128xf32, #tpu.memory_space<hbm>>
      %dma_wait3A_187 = arith.constant 0 : i32
      %dma_wait3A_188 = tpu.memref_slice %arg7[%add3A_138, %dma_wait3A_187] : memref<10000x128xf32, #tpu.memory_space<vmem_shared>> -> memref<80x128xf32, #tpu.memory_space<vmem_shared>>
      tpu.wait_dma2 semaphore(%run_scoped3A_178 : memref<!tpu.dma_semaphore, #tpu.memory_space<semaphore_mem>>) src(%dma_wait3A_188 : memref<80x128xf32, #tpu.memory_space<vmem_shared>>) dst(%dma_wait3A_186 : memref<80x128xf32, #tpu.memory_space<hbm>>)
      tpu.yield
    }) : () -> ()
    "tpu.region"() ({
      %run_scoped3A_178 = tpu.sem_alloc : memref<!tpu.dma_semaphore, #tpu.memory_space<semaphore_mem>>
      %dma_start3A_179 = arith.constant 0 : i32
      %dma_start3A_180 = tpu.memref_slice %arg6[%arg0, %add3A_138, %dma_start3A_179] : memref<2x10000x16xf32, #tpu.memory_space<hbm>> -> memref<1x80x16xf32, #tpu.memory_space<hbm>>
      %dma_start3A_181 = tpu.memref_squeeze %dma_start3A_180 : memref<1x80x16xf32, #tpu.memory_space<hbm>> -> memref<80x16xf32, #tpu.memory_space<hbm>>
      %dma_start3A_182 = arith.constant 0 : i32
      %dma_start3A_183 = tpu.memref_slice %arg8[%add3A_138, %dma_start3A_182] : memref<10000x16xf32, #tpu.memory_space<vmem_shared>> -> memref<80x16xf32, #tpu.memory_space<vmem_shared>>
      tpu.enqueue_dma source(%dma_start3A_183 : memref<80x16xf32, #tpu.memory_space<vmem_shared>>) target(%dma_start3A_181 : memref<80x16xf32, #tpu.memory_space<hbm>>) target_semaphore(%run_scoped3A_178 : memref<!tpu.dma_semaphore, #tpu.memory_space<semaphore_mem>>)
      %dma_wait3A_184 = arith.constant 0 : i32
      %dma_wait3A_185 = tpu.memref_slice %arg6[%arg0, %add3A_138, %dma_wait3A_184] : memref<2x10000x16xf32, #tpu.memory_space<hbm>> -> memref<1x80x16xf32, #tpu.memory_space<hbm>>
      %dma_wait3A_186 = tpu.memref_squeeze %dma_wait3A_185 : memref<1x80x16xf32, #tpu.memory_space<hbm>> -> memref<80x16xf32, #tpu.memory_space<hbm>>
      %dma_wait3A_187 = arith.constant 0 : i32
      %dma_wait3A_188 = tpu.memref_slice %arg8[%add3A_138, %dma_wait3A_187] : memref<10000x16xf32, #tpu.memory_space<vmem_shared>> -> memref<80x16xf32, #tpu.memory_space<vmem_shared>>
      tpu.wait_dma2 semaphore(%run_scoped3A_178 : memref<!tpu.dma_semaphore, #tpu.memory_space<semaphore_mem>>) src(%dma_wait3A_188 : memref<80x16xf32, #tpu.memory_space<vmem_shared>>) dst(%dma_wait3A_186 : memref<80x16xf32, #tpu.memory_space<hbm>>)
      tpu.yield
    }) : () -> ()
    %mul3A_139 = arith.constant 640 : i32
    %mul3A_140 = arith.muli %arg1, %mul3A_139 : i32
    %add3A_141 = arith.constant 160 : i32
    %add3A_142 = arith.addi %mul3A_140, %add3A_141 : i32
    "tpu.region"() ({
      %run_scoped3A_178 = tpu.sem_alloc : memref<!tpu.dma_semaphore, #tpu.memory_space<semaphore_mem>>
      %dma_start3A_179 = arith.constant 0 : i32
      %dma_start3A_180 = tpu.memref_slice %arg5[%arg0, %add3A_142, %dma_start3A_179] : memref<2x10000x128xf32, #tpu.memory_space<hbm>> -> memref<1x80x128xf32, #tpu.memory_space<hbm>>
      %dma_start3A_181 = tpu.memref_squeeze %dma_start3A_180 : memref<1x80x128xf32, #tpu.memory_space<hbm>> -> memref<80x128xf32, #tpu.memory_space<hbm>>
      %dma_start3A_182 = arith.constant 0 : i32
      %dma_start3A_183 = tpu.memref_slice %arg7[%add3A_142, %dma_start3A_182] : memref<10000x128xf32, #tpu.memory_space<vmem_shared>> -> memref<80x128xf32, #tpu.memory_space<vmem_shared>>
      tpu.enqueue_dma source(%dma_start3A_183 : memref<80x128xf32, #tpu.memory_space<vmem_shared>>) target(%dma_start3A_181 : memref<80x128xf32, #tpu.memory_space<hbm>>) target_semaphore(%run_scoped3A_178 : memref<!tpu.dma_semaphore, #tpu.memory_space<semaphore_mem>>)
      %dma_wait3A_184 = arith.constant 0 : i32
      %dma_wait3A_185 = tpu.memref_slice %arg5[%arg0, %add3A_142, %dma_wait3A_184] : memref<2x10000x128xf32, #tpu.memory_space<hbm>> -> memref<1x80x128xf32, #tpu.memory_space<hbm>>
      %dma_wait3A_186 = tpu.memref_squeeze %dma_wait3A_185 : memref<1x80x128xf32, #tpu.memory_space<hbm>> -> memref<80x128xf32, #tpu.memory_space<hbm>>
      %dma_wait3A_187 = arith.constant 0 : i32
      %dma_wait3A_188 = tpu.memref_slice %arg7[%add3A_142, %dma_wait3A_187] : memref<10000x128xf32, #tpu.memory_space<vmem_shared>> -> memref<80x128xf32, #tpu.memory_space<vmem_shared>>
      tpu.wait_dma2 semaphore(%run_scoped3A_178 : memref<!tpu.dma_semaphore, #tpu.memory_space<semaphore_mem>>) src(%dma_wait3A_188 : memref<80x128xf32, #tpu.memory_space<vmem_shared>>) dst(%dma_wait3A_186 : memref<80x128xf32, #tpu.memory_space<hbm>>)
      tpu.yield
    }) : () -> ()
    "tpu.region"() ({
      %run_scoped3A_178 = tpu.sem_alloc : memref<!tpu.dma_semaphore, #tpu.memory_space<semaphore_mem>>
      %dma_start3A_179 = arith.constant 0 : i32
      %dma_start3A_180 = tpu.memref_slice %arg6[%arg0, %add3A_142, %dma_start3A_179] : memref<2x10000x16xf32, #tpu.memory_space<hbm>> -> memref<1x80x16xf32, #tpu.memory_space<hbm>>
      %dma_start3A_181 = tpu.memref_squeeze %dma_start3A_180 : memref<1x80x16xf32, #tpu.memory_space<hbm>> -> memref<80x16xf32, #tpu.memory_space<hbm>>
      %dma_start3A_182 = arith.constant 0 : i32
      %dma_start3A_183 = tpu.memref_slice %arg8[%add3A_142, %dma_start3A_182] : memref<10000x16xf32, #tpu.memory_space<vmem_shared>> -> memref<80x16xf32, #tpu.memory_space<vmem_shared>>
      tpu.enqueue_dma source(%dma_start3A_183 : memref<80x16xf32, #tpu.memory_space<vmem_shared>>) target(%dma_start3A_181 : memref<80x16xf32, #tpu.memory_space<hbm>>) target_semaphore(%run_scoped3A_178 : memref<!tpu.dma_semaphore, #tpu.memory_space<semaphore_mem>>)
      %dma_wait3A_184 = arith.constant 0 : i32
      %dma_wait3A_185 = tpu.memref_slice %arg6[%arg0, %add3A_142, %dma_wait3A_184] : memref<2x10000x16xf32, #tpu.memory_space<hbm>> -> memref<1x80x16xf32, #tpu.memory_space<hbm>>
      %dma_wait3A_186 = tpu.memref_squeeze %dma_wait3A_185 : memref<1x80x16xf32, #tpu.memory_space<hbm>> -> memref<80x16xf32, #tpu.memory_space<hbm>>
      %dma_wait3A_187 = arith.constant 0 : i32
      %dma_wait3A_188 = tpu.memref_slice %arg8[%add3A_142, %dma_wait3A_187] : memref<10000x16xf32, #tpu.memory_space<vmem_shared>> -> memref<80x16xf32, #tpu.memory_space<vmem_shared>>
      tpu.wait_dma2 semaphore(%run_scoped3A_178 : memref<!tpu.dma_semaphore, #tpu.memory_space<semaphore_mem>>) src(%dma_wait3A_188 : memref<80x16xf32, #tpu.memory_space<vmem_shared>>) dst(%dma_wait3A_186 : memref<80x16xf32, #tpu.memory_space<hbm>>)
      tpu.yield
    }) : () -> ()
    %mul3A_143 = arith.constant 640 : i32
    %mul3A_144 = arith.muli %arg1, %mul3A_143 : i32
    %add3A_145 = arith.constant 240 : i32
    %add3A_146 = arith.addi %mul3A_144, %add3A_145 : i32
    "tpu.region"() ({
      %run_scoped3A_178 = tpu.sem_alloc : memref<!tpu.dma_semaphore, #tpu.memory_space<semaphore_mem>>
      %dma_start3A_179 = arith.constant 0 : i32
      %dma_start3A_180 = tpu.memref_slice %arg5[%arg0, %add3A_146, %dma_start3A_179] : memref<2x10000x128xf32, #tpu.memory_space<hbm>> -> memref<1x80x128xf32, #tpu.memory_space<hbm>>
      %dma_start3A_181 = tpu.memref_squeeze %dma_start3A_180 : memref<1x80x128xf32, #tpu.memory_space<hbm>> -> memref<80x128xf32, #tpu.memory_space<hbm>>
      %dma_start3A_182 = arith.constant 0 : i32
      %dma_start3A_183 = tpu.memref_slice %arg7[%add3A_146, %dma_start3A_182] : memref<10000x128xf32, #tpu.memory_space<vmem_shared>> -> memref<80x128xf32, #tpu.memory_space<vmem_shared>>
      tpu.enqueue_dma source(%dma_start3A_183 : memref<80x128xf32, #tpu.memory_space<vmem_shared>>) target(%dma_start3A_181 : memref<80x128xf32, #tpu.memory_space<hbm>>) target_semaphore(%run_scoped3A_178 : memref<!tpu.dma_semaphore, #tpu.memory_space<semaphore_mem>>)
      %dma_wait3A_184 = arith.constant 0 : i32
      %dma_wait3A_185 = tpu.memref_slice %arg5[%arg0, %add3A_146, %dma_wait3A_184] : memref<2x10000x128xf32, #tpu.memory_space<hbm>> -> memref<1x80x128xf32, #tpu.memory_space<hbm>>
      %dma_wait3A_186 = tpu.memref_squeeze %dma_wait3A_185 : memref<1x80x128xf32, #tpu.memory_space<hbm>> -> memref<80x128xf32, #tpu.memory_space<hbm>>
      %dma_wait3A_187 = arith.constant 0 : i32
      %dma_wait3A_188 = tpu.memref_slice %arg7[%add3A_146, %dma_wait3A_187] : memref<10000x128xf32, #tpu.memory_space<vmem_shared>> -> memref<80x128xf32, #tpu.memory_space<vmem_shared>>
      tpu.wait_dma2 semaphore(%run_scoped3A_178 : memref<!tpu.dma_semaphore, #tpu.memory_space<semaphore_mem>>) src(%dma_wait3A_188 : memref<80x128xf32, #tpu.memory_space<vmem_shared>>) dst(%dma_wait3A_186 : memref<80x128xf32, #tpu.memory_space<hbm>>)
      tpu.yield
    }) : () -> ()
    "tpu.region"() ({
      %run_scoped3A_178 = tpu.sem_alloc : memref<!tpu.dma_semaphore, #tpu.memory_space<semaphore_mem>>
      %dma_start3A_179 = arith.constant 0 : i32
      %dma_start3A_180 = tpu.memref_slice %arg6[%arg0, %add3A_146, %dma_start3A_179] : memref<2x10000x16xf32, #tpu.memory_space<hbm>> -> memref<1x80x16xf32, #tpu.memory_space<hbm>>
      %dma_start3A_181 = tpu.memref_squeeze %dma_start3A_180 : memref<1x80x16xf32, #tpu.memory_space<hbm>> -> memref<80x16xf32, #tpu.memory_space<hbm>>
      %dma_start3A_182 = arith.constant 0 : i32
      %dma_start3A_183 = tpu.memref_slice %arg8[%add3A_146, %dma_start3A_182] : memref<10000x16xf32, #tpu.memory_space<vmem_shared>> -> memref<80x16xf32, #tpu.memory_space<vmem_shared>>
      tpu.enqueue_dma source(%dma_start3A_183 : memref<80x16xf32, #tpu.memory_space<vmem_shared>>) target(%dma_start3A_181 : memref<80x16xf32, #tpu.memory_space<hbm>>) target_semaphore(%run_scoped3A_178 : memref<!tpu.dma_semaphore, #tpu.memory_space<semaphore_mem>>)
      %dma_wait3A_184 = arith.constant 0 : i32
      %dma_wait3A_185 = tpu.memref_slice %arg6[%arg0, %add3A_146, %dma_wait3A_184] : memref<2x10000x16xf32, #tpu.memory_space<hbm>> -> memref<1x80x16xf32, #tpu.memory_space<hbm>>
      %dma_wait3A_186 = tpu.memref_squeeze %dma_wait3A_185 : memref<1x80x16xf32, #tpu.memory_space<hbm>> -> memref<80x16xf32, #tpu.memory_space<hbm>>
      %dma_wait3A_187 = arith.constant 0 : i32
      %dma_wait3A_188 = tpu.memref_slice %arg8[%add3A_146, %dma_wait3A_187] : memref<10000x16xf32, #tpu.memory_space<vmem_shared>> -> memref<80x16xf32, #tpu.memory_space<vmem_shared>>
      tpu.wait_dma2 semaphore(%run_scoped3A_178 : memref<!tpu.dma_semaphore, #tpu.memory_space<semaphore_mem>>) src(%dma_wait3A_188 : memref<80x16xf32, #tpu.memory_space<vmem_shared>>) dst(%dma_wait3A_186 : memref<80x16xf32, #tpu.memory_space<hbm>>)
      tpu.yield
    }) : () -> ()
    %mul3A_147 = arith.constant 640 : i32
    %mul3A_148 = arith.muli %arg1, %mul3A_147 : i32
    %add3A_149 = arith.constant 320 : i32
    %add3A_150 = arith.addi %mul3A_148, %add3A_149 : i32
    "tpu.region"() ({
      %run_scoped3A_178 = tpu.sem_alloc : memref<!tpu.dma_semaphore, #tpu.memory_space<semaphore_mem>>
      %dma_start3A_179 = arith.constant 0 : i32
      %dma_start3A_180 = tpu.memref_slice %arg5[%arg0, %add3A_150, %dma_start3A_179] : memref<2x10000x128xf32, #tpu.memory_space<hbm>> -> memref<1x80x128xf32, #tpu.memory_space<hbm>>
      %dma_start3A_181 = tpu.memref_squeeze %dma_start3A_180 : memref<1x80x128xf32, #tpu.memory_space<hbm>> -> memref<80x128xf32, #tpu.memory_space<hbm>>
      %dma_start3A_182 = arith.constant 0 : i32
      %dma_start3A_183 = tpu.memref_slice %arg7[%add3A_150, %dma_start3A_182] : memref<10000x128xf32, #tpu.memory_space<vmem_shared>> -> memref<80x128xf32, #tpu.memory_space<vmem_shared>>
      tpu.enqueue_dma source(%dma_start3A_183 : memref<80x128xf32, #tpu.memory_space<vmem_shared>>) target(%dma_start3A_181 : memref<80x128xf32, #tpu.memory_space<hbm>>) target_semaphore(%run_scoped3A_178 : memref<!tpu.dma_semaphore, #tpu.memory_space<semaphore_mem>>)
      %dma_wait3A_184 = arith.constant 0 : i32
      %dma_wait3A_185 = tpu.memref_slice %arg5[%arg0, %add3A_150, %dma_wait3A_184] : memref<2x10000x128xf32, #tpu.memory_space<hbm>> -> memref<1x80x128xf32, #tpu.memory_space<hbm>>
      %dma_wait3A_186 = tpu.memref_squeeze %dma_wait3A_185 : memref<1x80x128xf32, #tpu.memory_space<hbm>> -> memref<80x128xf32, #tpu.memory_space<hbm>>
      %dma_wait3A_187 = arith.constant 0 : i32
      %dma_wait3A_188 = tpu.memref_slice %arg7[%add3A_150, %dma_wait3A_187] : memref<10000x128xf32, #tpu.memory_space<vmem_shared>> -> memref<80x128xf32, #tpu.memory_space<vmem_shared>>
      tpu.wait_dma2 semaphore(%run_scoped3A_178 : memref<!tpu.dma_semaphore, #tpu.memory_space<semaphore_mem>>) src(%dma_wait3A_188 : memref<80x128xf32, #tpu.memory_space<vmem_shared>>) dst(%dma_wait3A_186 : memref<80x128xf32, #tpu.memory_space<hbm>>)
      tpu.yield
    }) : () -> ()
    "tpu.region"() ({
      %run_scoped3A_178 = tpu.sem_alloc : memref<!tpu.dma_semaphore, #tpu.memory_space<semaphore_mem>>
      %dma_start3A_179 = arith.constant 0 : i32
      %dma_start3A_180 = tpu.memref_slice %arg6[%arg0, %add3A_150, %dma_start3A_179] : memref<2x10000x16xf32, #tpu.memory_space<hbm>> -> memref<1x80x16xf32, #tpu.memory_space<hbm>>
      %dma_start3A_181 = tpu.memref_squeeze %dma_start3A_180 : memref<1x80x16xf32, #tpu.memory_space<hbm>> -> memref<80x16xf32, #tpu.memory_space<hbm>>
      %dma_start3A_182 = arith.constant 0 : i32
      %dma_start3A_183 = tpu.memref_slice %arg8[%add3A_150, %dma_start3A_182] : memref<10000x16xf32, #tpu.memory_space<vmem_shared>> -> memref<80x16xf32, #tpu.memory_space<vmem_shared>>
      tpu.enqueue_dma source(%dma_start3A_183 : memref<80x16xf32, #tpu.memory_space<vmem_shared>>) target(%dma_start3A_181 : memref<80x16xf32, #tpu.memory_space<hbm>>) target_semaphore(%run_scoped3A_178 : memref<!tpu.dma_semaphore, #tpu.memory_space<semaphore_mem>>)
      %dma_wait3A_184 = arith.constant 0 : i32
      %dma_wait3A_185 = tpu.memref_slice %arg6[%arg0, %add3A_150, %dma_wait3A_184] : memref<2x10000x16xf32, #tpu.memory_space<hbm>> -> memref<1x80x16xf32, #tpu.memory_space<hbm>>
      %dma_wait3A_186 = tpu.memref_squeeze %dma_wait3A_185 : memref<1x80x16xf32, #tpu.memory_space<hbm>> -> memref<80x16xf32, #tpu.memory_space<hbm>>
      %dma_wait3A_187 = arith.constant 0 : i32
      %dma_wait3A_188 = tpu.memref_slice %arg8[%add3A_150, %dma_wait3A_187] : memref<10000x16xf32, #tpu.memory_space<vmem_shared>> -> memref<80x16xf32, #tpu.memory_space<vmem_shared>>
      tpu.wait_dma2 semaphore(%run_scoped3A_178 : memref<!tpu.dma_semaphore, #tpu.memory_space<semaphore_mem>>) src(%dma_wait3A_188 : memref<80x16xf32, #tpu.memory_space<vmem_shared>>) dst(%dma_wait3A_186 : memref<80x16xf32, #tpu.memory_space<hbm>>)
      tpu.yield
    }) : () -> ()
    %mul3A_151 = arith.constant 640 : i32
    %mul3A_152 = arith.muli %arg1, %mul3A_151 : i32
    %add3A_153 = arith.constant 400 : i32
    %add3A_154 = arith.addi %mul3A_152, %add3A_153 : i32
    %lt3A_155 = arith.constant 15 : i32
    %lt3A_156 = arith.cmpi slt, %arg1, %lt3A_155 : i32
    %convert_element_type3A_157 = arith.extui %lt3A_156 : i1 to i32
    %cond3A_158 = arith.constant 0 : i32
    %cond3A_159 = arith.cmpi ne, %convert_element_type3A_157, %cond3A_158 : i32
    scf.if %cond3A_159 {
      "tpu.region"() ({
        %run_scoped3A_178 = tpu.sem_alloc : memref<!tpu.dma_semaphore, #tpu.memory_space<semaphore_mem>>
        %dma_start3A_179 = arith.constant 0 : i32
        %dma_start3A_180 = tpu.memref_slice %arg5[%arg0, %add3A_154, %dma_start3A_179] : memref<2x10000x128xf32, #tpu.memory_space<hbm>> -> memref<1x80x128xf32, #tpu.memory_space<hbm>>
        %dma_start3A_181 = tpu.memref_squeeze %dma_start3A_180 : memref<1x80x128xf32, #tpu.memory_space<hbm>> -> memref<80x128xf32, #tpu.memory_space<hbm>>
        %dma_start3A_182 = arith.constant 0 : i32
        %dma_start3A_183 = tpu.memref_slice %arg7[%add3A_154, %dma_start3A_182] : memref<10000x128xf32, #tpu.memory_space<vmem_shared>> -> memref<80x128xf32, #tpu.memory_space<vmem_shared>>
        tpu.enqueue_dma source(%dma_start3A_183 : memref<80x128xf32, #tpu.memory_space<vmem_shared>>) target(%dma_start3A_181 : memref<80x128xf32, #tpu.memory_space<hbm>>) target_semaphore(%run_scoped3A_178 : memref<!tpu.dma_semaphore, #tpu.memory_space<semaphore_mem>>)
        %dma_wait3A_184 = arith.constant 0 : i32
        %dma_wait3A_185 = tpu.memref_slice %arg5[%arg0, %add3A_154, %dma_wait3A_184] : memref<2x10000x128xf32, #tpu.memory_space<hbm>> -> memref<1x80x128xf32, #tpu.memory_space<hbm>>
        %dma_wait3A_186 = tpu.memref_squeeze %dma_wait3A_185 : memref<1x80x128xf32, #tpu.memory_space<hbm>> -> memref<80x128xf32, #tpu.memory_space<hbm>>
        %dma_wait3A_187 = arith.constant 0 : i32
        %dma_wait3A_188 = tpu.memref_slice %arg7[%add3A_154, %dma_wait3A_187] : memref<10000x128xf32, #tpu.memory_space<vmem_shared>> -> memref<80x128xf32, #tpu.memory_space<vmem_shared>>
        tpu.wait_dma2 semaphore(%run_scoped3A_178 : memref<!tpu.dma_semaphore, #tpu.memory_space<semaphore_mem>>) src(%dma_wait3A_188 : memref<80x128xf32, #tpu.memory_space<vmem_shared>>) dst(%dma_wait3A_186 : memref<80x128xf32, #tpu.memory_space<hbm>>)
        tpu.yield
      }) : () -> ()
      "tpu.region"() ({
        %run_scoped3A_178 = tpu.sem_alloc : memref<!tpu.dma_semaphore, #tpu.memory_space<semaphore_mem>>
        %dma_start3A_179 = arith.constant 0 : i32
        %dma_start3A_180 = tpu.memref_slice %arg6[%arg0, %add3A_154, %dma_start3A_179] : memref<2x10000x16xf32, #tpu.memory_space<hbm>> -> memref<1x80x16xf32, #tpu.memory_space<hbm>>
        %dma_start3A_181 = tpu.memref_squeeze %dma_start3A_180 : memref<1x80x16xf32, #tpu.memory_space<hbm>> -> memref<80x16xf32, #tpu.memory_space<hbm>>
        %dma_start3A_182 = arith.constant 0 : i32
        %dma_start3A_183 = tpu.memref_slice %arg8[%add3A_154, %dma_start3A_182] : memref<10000x16xf32, #tpu.memory_space<vmem_shared>> -> memref<80x16xf32, #tpu.memory_space<vmem_shared>>
        tpu.enqueue_dma source(%dma_start3A_183 : memref<80x16xf32, #tpu.memory_space<vmem_shared>>) target(%dma_start3A_181 : memref<80x16xf32, #tpu.memory_space<hbm>>) target_semaphore(%run_scoped3A_178 : memref<!tpu.dma_semaphore, #tpu.memory_space<semaphore_mem>>)
        %dma_wait3A_184 = arith.constant 0 : i32
        %dma_wait3A_185 = tpu.memref_slice %arg6[%arg0, %add3A_154, %dma_wait3A_184] : memref<2x10000x16xf32, #tpu.memory_space<hbm>> -> memref<1x80x16xf32, #tpu.memory_space<hbm>>
        %dma_wait3A_186 = tpu.memref_squeeze %dma_wait3A_185 : memref<1x80x16xf32, #tpu.memory_space<hbm>> -> memref<80x16xf32, #tpu.memory_space<hbm>>
        %dma_wait3A_187 = arith.constant 0 : i32
        %dma_wait3A_188 = tpu.memref_slice %arg8[%add3A_154, %dma_wait3A_187] : memref<10000x16xf32, #tpu.memory_space<vmem_shared>> -> memref<80x16xf32, #tpu.memory_space<vmem_shared>>
        tpu.wait_dma2 semaphore(%run_scoped3A_178 : memref<!tpu.dma_semaphore, #tpu.memory_space<semaphore_mem>>) src(%dma_wait3A_188 : memref<80x16xf32, #tpu.memory_space<vmem_shared>>) dst(%dma_wait3A_186 : memref<80x16xf32, #tpu.memory_space<hbm>>)
        tpu.yield
      }) : () -> ()
    } else {
    }
    %mul3A_160 = arith.constant 640 : i32
    %mul3A_161 = arith.muli %arg1, %mul3A_160 : i32
    %add3A_162 = arith.constant 480 : i32
    %add3A_163 = arith.addi %mul3A_161, %add3A_162 : i32
    %lt3A_164 = arith.constant 15 : i32
    %lt3A_165 = arith.cmpi slt, %arg1, %lt3A_164 : i32
    %convert_element_type3A_166 = arith.extui %lt3A_165 : i1 to i32
    %cond3A_167 = arith.constant 0 : i32
    %cond3A_168 = arith.cmpi ne, %convert_element_type3A_166, %cond3A_167 : i32
    scf.if %cond3A_168 {
      "tpu.region"() ({
        %run_scoped3A_178 = tpu.sem_alloc : memref<!tpu.dma_semaphore, #tpu.memory_space<semaphore_mem>>
        %dma_start3A_179 = arith.constant 0 : i32
        %dma_start3A_180 = tpu.memref_slice %arg5[%arg0, %add3A_163, %dma_start3A_179] : memref<2x10000x128xf32, #tpu.memory_space<hbm>> -> memref<1x80x128xf32, #tpu.memory_space<hbm>>
        %dma_start3A_181 = tpu.memref_squeeze %dma_start3A_180 : memref<1x80x128xf32, #tpu.memory_space<hbm>> -> memref<80x128xf32, #tpu.memory_space<hbm>>
        %dma_start3A_182 = arith.constant 0 : i32
        %dma_start3A_183 = tpu.memref_slice %arg7[%add3A_163, %dma_start3A_182] : memref<10000x128xf32, #tpu.memory_space<vmem_shared>> -> memref<80x128xf32, #tpu.memory_space<vmem_shared>>
        tpu.enqueue_dma source(%dma_start3A_183 : memref<80x128xf32, #tpu.memory_space<vmem_shared>>) target(%dma_start3A_181 : memref<80x128xf32, #tpu.memory_space<hbm>>) target_semaphore(%run_scoped3A_178 : memref<!tpu.dma_semaphore, #tpu.memory_space<semaphore_mem>>)
        %dma_wait3A_184 = arith.constant 0 : i32
        %dma_wait3A_185 = tpu.memref_slice %arg5[%arg0, %add3A_163, %dma_wait3A_184] : memref<2x10000x128xf32, #tpu.memory_space<hbm>> -> memref<1x80x128xf32, #tpu.memory_space<hbm>>
        %dma_wait3A_186 = tpu.memref_squeeze %dma_wait3A_185 : memref<1x80x128xf32, #tpu.memory_space<hbm>> -> memref<80x128xf32, #tpu.memory_space<hbm>>
        %dma_wait3A_187 = arith.constant 0 : i32
        %dma_wait3A_188 = tpu.memref_slice %arg7[%add3A_163, %dma_wait3A_187] : memref<10000x128xf32, #tpu.memory_space<vmem_shared>> -> memref<80x128xf32, #tpu.memory_space<vmem_shared>>
        tpu.wait_dma2 semaphore(%run_scoped3A_178 : memref<!tpu.dma_semaphore, #tpu.memory_space<semaphore_mem>>) src(%dma_wait3A_188 : memref<80x128xf32, #tpu.memory_space<vmem_shared>>) dst(%dma_wait3A_186 : memref<80x128xf32, #tpu.memory_space<hbm>>)
        tpu.yield
      }) : () -> ()
      "tpu.region"() ({
        %run_scoped3A_178 = tpu.sem_alloc : memref<!tpu.dma_semaphore, #tpu.memory_space<semaphore_mem>>
        %dma_start3A_179 = arith.constant 0 : i32
        %dma_start3A_180 = tpu.memref_slice %arg6[%arg0, %add3A_163, %dma_start3A_179] : memref<2x10000x16xf32, #tpu.memory_space<hbm>> -> memref<1x80x16xf32, #tpu.memory_space<hbm>>
        %dma_start3A_181 = tpu.memref_squeeze %dma_start3A_180 : memref<1x80x16xf32, #tpu.memory_space<hbm>> -> memref<80x16xf32, #tpu.memory_space<hbm>>
        %dma_start3A_182 = arith.constant 0 : i32
        %dma_start3A_183 = tpu.memref_slice %arg8[%add3A_163, %dma_start3A_182] : memref<10000x16xf32, #tpu.memory_space<vmem_shared>> -> memref<80x16xf32, #tpu.memory_space<vmem_shared>>
        tpu.enqueue_dma source(%dma_start3A_183 : memref<80x16xf32, #tpu.memory_space<vmem_shared>>) target(%dma_start3A_181 : memref<80x16xf32, #tpu.memory_space<hbm>>) target_semaphore(%run_scoped3A_178 : memref<!tpu.dma_semaphore, #tpu.memory_space<semaphore_mem>>)
        %dma_wait3A_184 = arith.constant 0 : i32
        %dma_wait3A_185 = tpu.memref_slice %arg6[%arg0, %add3A_163, %dma_wait3A_184] : memref<2x10000x16xf32, #tpu.memory_space<hbm>> -> memref<1x80x16xf32, #tpu.memory_space<hbm>>
        %dma_wait3A_186 = tpu.memref_squeeze %dma_wait3A_185 : memref<1x80x16xf32, #tpu.memory_space<hbm>> -> memref<80x16xf32, #tpu.memory_space<hbm>>
        %dma_wait3A_187 = arith.constant 0 : i32
        %dma_wait3A_188 = tpu.memref_slice %arg8[%add3A_163, %dma_wait3A_187] : memref<10000x16xf32, #tpu.memory_space<vmem_shared>> -> memref<80x16xf32, #tpu.memory_space<vmem_shared>>
        tpu.wait_dma2 semaphore(%run_scoped3A_178 : memref<!tpu.dma_semaphore, #tpu.memory_space<semaphore_mem>>) src(%dma_wait3A_188 : memref<80x16xf32, #tpu.memory_space<vmem_shared>>) dst(%dma_wait3A_186 : memref<80x16xf32, #tpu.memory_space<hbm>>)
        tpu.yield
      }) : () -> ()
    } else {
    }
    %mul3A_169 = arith.constant 640 : i32
    %mul3A_170 = arith.muli %arg1, %mul3A_169 : i32
    %add3A_171 = arith.constant 560 : i32
    %add3A_172 = arith.addi %mul3A_170, %add3A_171 : i32
    %lt3A_173 = arith.constant 15 : i32
    %lt3A_174 = arith.cmpi slt, %arg1, %lt3A_173 : i32
    %convert_element_type3A_175 = arith.extui %lt3A_174 : i1 to i32
    %cond3A_176 = arith.constant 0 : i32
    %cond3A_177 = arith.cmpi ne, %convert_element_type3A_175, %cond3A_176 : i32
    scf.if %cond3A_177 {
      "tpu.region"() ({
        %run_scoped3A_178 = tpu.sem_alloc : memref<!tpu.dma_semaphore, #tpu.memory_space<semaphore_mem>>
        %dma_start3A_179 = arith.constant 0 : i32
        %dma_start3A_180 = tpu.memref_slice %arg5[%arg0, %add3A_172, %dma_start3A_179] : memref<2x10000x128xf32, #tpu.memory_space<hbm>> -> memref<1x80x128xf32, #tpu.memory_space<hbm>>
        %dma_start3A_181 = tpu.memref_squeeze %dma_start3A_180 : memref<1x80x128xf32, #tpu.memory_space<hbm>> -> memref<80x128xf32, #tpu.memory_space<hbm>>
        %dma_start3A_182 = arith.constant 0 : i32
        %dma_start3A_183 = tpu.memref_slice %arg7[%add3A_172, %dma_start3A_182] : memref<10000x128xf32, #tpu.memory_space<vmem_shared>> -> memref<80x128xf32, #tpu.memory_space<vmem_shared>>
        tpu.enqueue_dma source(%dma_start3A_183 : memref<80x128xf32, #tpu.memory_space<vmem_shared>>) target(%dma_start3A_181 : memref<80x128xf32, #tpu.memory_space<hbm>>) target_semaphore(%run_scoped3A_178 : memref<!tpu.dma_semaphore, #tpu.memory_space<semaphore_mem>>)
        %dma_wait3A_184 = arith.constant 0 : i32
        %dma_wait3A_185 = tpu.memref_slice %arg5[%arg0, %add3A_172, %dma_wait3A_184] : memref<2x10000x128xf32, #tpu.memory_space<hbm>> -> memref<1x80x128xf32, #tpu.memory_space<hbm>>
        %dma_wait3A_186 = tpu.memref_squeeze %dma_wait3A_185 : memref<1x80x128xf32, #tpu.memory_space<hbm>> -> memref<80x128xf32, #tpu.memory_space<hbm>>
        %dma_wait3A_187 = arith.constant 0 : i32
        %dma_wait3A_188 = tpu.memref_slice %arg7[%add3A_172, %dma_wait3A_187] : memref<10000x128xf32, #tpu.memory_space<vmem_shared>> -> memref<80x128xf32, #tpu.memory_space<vmem_shared>>
        tpu.wait_dma2 semaphore(%run_scoped3A_178 : memref<!tpu.dma_semaphore, #tpu.memory_space<semaphore_mem>>) src(%dma_wait3A_188 : memref<80x128xf32, #tpu.memory_space<vmem_shared>>) dst(%dma_wait3A_186 : memref<80x128xf32, #tpu.memory_space<hbm>>)
        tpu.yield
      }) : () -> ()
      "tpu.region"() ({
        %run_scoped3A_178 = tpu.sem_alloc : memref<!tpu.dma_semaphore, #tpu.memory_space<semaphore_mem>>
        %dma_start3A_179 = arith.constant 0 : i32
        %dma_start3A_180 = tpu.memref_slice %arg6[%arg0, %add3A_172, %dma_start3A_179] : memref<2x10000x16xf32, #tpu.memory_space<hbm>> -> memref<1x80x16xf32, #tpu.memory_space<hbm>>
        %dma_start3A_181 = tpu.memref_squeeze %dma_start3A_180 : memref<1x80x16xf32, #tpu.memory_space<hbm>> -> memref<80x16xf32, #tpu.memory_space<hbm>>
        %dma_start3A_182 = arith.constant 0 : i32
        %dma_start3A_183 = tpu.memref_slice %arg8[%add3A_172, %dma_start3A_182] : memref<10000x16xf32, #tpu.memory_space<vmem_shared>> -> memref<80x16xf32, #tpu.memory_space<vmem_shared>>
        tpu.enqueue_dma source(%dma_start3A_183 : memref<80x16xf32, #tpu.memory_space<vmem_shared>>) target(%dma_start3A_181 : memref<80x16xf32, #tpu.memory_space<hbm>>) target_semaphore(%run_scoped3A_178 : memref<!tpu.dma_semaphore, #tpu.memory_space<semaphore_mem>>)
        %dma_wait3A_184 = arith.constant 0 : i32
        %dma_wait3A_185 = tpu.memref_slice %arg6[%arg0, %add3A_172, %dma_wait3A_184] : memref<2x10000x16xf32, #tpu.memory_space<hbm>> -> memref<1x80x16xf32, #tpu.memory_space<hbm>>
        %dma_wait3A_186 = tpu.memref_squeeze %dma_wait3A_185 : memref<1x80x16xf32, #tpu.memory_space<hbm>> -> memref<80x16xf32, #tpu.memory_space<hbm>>
        %dma_wait3A_187 = arith.constant 0 : i32
        %dma_wait3A_188 = tpu.memref_slice %arg8[%add3A_172, %dma_wait3A_187] : memref<10000x16xf32, #tpu.memory_space<vmem_shared>> -> memref<80x16xf32, #tpu.memory_space<vmem_shared>>
        tpu.wait_dma2 semaphore(%run_scoped3A_178 : memref<!tpu.dma_semaphore, #tpu.memory_space<semaphore_mem>>) src(%dma_wait3A_188 : memref<80x16xf32, #tpu.memory_space<vmem_shared>>) dst(%dma_wait3A_186 : memref<80x16xf32, #tpu.memory_space<hbm>>)
        tpu.yield
      }) : () -> ()
    } else {
    }
    return
  }
}

module attributes {stable_mosaic.version = 14 : i64} {
  func.func @_tc_body(%arg0: i32, %arg1: memref<2x2000x128xf32, #tpu.memory_space<vmem>>, %arg2: memref<2x2000x16xf32, #tpu.memory_space<vmem>>, %arg3: memref<128x128xf32, #tpu.memory_space<vmem>>, %arg4: memref<2000x128xf32, #tpu.memory_space<vmem>>) attributes {dimension_semantics = [#tpu.dimension_semantics<arbitrary>], iteration_bounds = array<i64: 5>, scalar_prefetch = 0 : i64, scratch_operands = 0 : i64, tpu.core_type = #tpu.core_type<tc>, window_params = [{transform_indices = @transform_0, window_bounds = array<i64: 2, 2000, 128>}, {transform_indices = @transform_1, window_bounds = array<i64: 2, 2000, 16>}, {pipeline_mode = #tpu.pipeline_mode<synchronous>, transform_indices = @transform_2, window_bounds = array<i64: 128, 128>}, {transform_indices = @transform_3, window_bounds = array<i64: 2000, 128>}]} {
    %get3A = arith.constant 0 : index
    %get3A_0 = arith.constant 0 : index
    %get3A_1 = arith.constant 0 : index
    %get3A_2 = vector.load %arg1[%get3A, %get3A_0, %get3A_1] : memref<2x2000x128xf32, #tpu.memory_space<vmem>>, vector<2x2000x128xf32>
    %get3A_3 = arith.constant 0 : index
    %get3A_4 = arith.constant 0 : index
    %get3A_5 = arith.constant 0 : index
    %get3A_6 = vector.load %arg2[%get3A_3, %get3A_4, %get3A_5] : memref<2x2000x16xf32, #tpu.memory_space<vmem>>, vector<2x2000x16xf32>
    %slice3A = vector.extract_strided_slice %get3A_2 {offsets = [0, 0, 0], sizes = [1, 2000, 128], strides = [1, 1, 1]} : vector<2x2000x128xf32> to vector<1x2000x128xf32>
    %squeeze3A = vector.shape_cast %slice3A : vector<1x2000x128xf32> to vector<2000x128xf32>
    %slice3A_7 = vector.extract_strided_slice %get3A_2 {offsets = [1, 0, 0], sizes = [1, 2000, 128], strides = [1, 1, 1]} : vector<2x2000x128xf32> to vector<1x2000x128xf32>
    %squeeze3A_8 = vector.shape_cast %slice3A_7 : vector<1x2000x128xf32> to vector<2000x128xf32>
    %add3A = arith.addf %squeeze3A, %squeeze3A_8 : vector<2000x128xf32>
    %slice3A_9 = vector.extract_strided_slice %get3A_6 {offsets = [0, 0, 0], sizes = [1, 2000, 1], strides = [1, 1, 1]} : vector<2x2000x16xf32> to vector<1x2000x1xf32>
    %squeeze3A_10 = vector.shape_cast %slice3A_9 : vector<1x2000x1xf32> to vector<2000x1xf32>
    %slice3A_11 = vector.extract_strided_slice %get3A_6 {offsets = [1, 0, 0], sizes = [1, 2000, 1], strides = [1, 1, 1]} : vector<2x2000x16xf32> to vector<1x2000x1xf32>
    %squeeze3A_12 = vector.shape_cast %slice3A_11 : vector<1x2000x1xf32> to vector<2000x1xf32>
    %add3A_13 = arith.addf %squeeze3A_10, %squeeze3A_12 : vector<2000x1xf32>
    %jit3A = arith.constant 1.000000e+00 : f32
    %max3A = vector.broadcast %jit3A : f32 to vector<2000x1xf32>
    %max3A_14 = arith.maximumf %max3A, %add3A_13 : vector<2000x1xf32>
    %div3A = vector.broadcast %max3A_14 : vector<2000x1xf32> to vector<2000x128xf32>
    %div3A_15 = arith.divf %add3A, %div3A : vector<2000x128xf32>
    %get3A_16 = arith.constant 0 : index
    %get3A_17 = arith.constant 0 : index
    %get3A_18 = vector.load %arg3[%get3A_16, %get3A_17] : memref<128x128xf32, #tpu.memory_space<vmem>>, vector<128x128xf32>
    %dot_general3A = arith.constant dense<0.000000e+00> : vector<2000x128xf32>
    %dot_general3A_19 = tpu.matmul %div3A_15, %get3A_18, %dot_general3A {dimension_numbers = #tpu.dot_dimension_numbers<[1], [0], [0], [1], [0, 0, 1, 1], [], []>, transpose_lhs_hint = false} : vector<2000x128xf32>, vector<128x128xf32>, vector<2000x128xf32> -> vector<2000x128xf32>
    %swap3A = arith.constant 0 : index
    %swap3A_20 = arith.constant 0 : index
    %swap3A_21 = vector.load %arg4[%swap3A, %swap3A_20] : memref<2000x128xf32, #tpu.memory_space<vmem>>, vector<2000x128xf32>
    tpu.vector_store %arg4[%swap3A, %swap3A_20], %dot_general3A_19 {strides = array<i32>} : memref<2000x128xf32, #tpu.memory_space<vmem>>, vector<2000x128xf32>,
    return
  }
  func.func @transform_0(%arg0: i32) -> (i32, i32, i32) {
    %c0_i32 = arith.constant 0 : i32
    %c0_i32_0 = arith.constant 0 : i32
    %c0_i32_1 = arith.constant 0 : i32
    return %c0_i32, %arg0, %c0_i32_0 : i32, i32, i32
  }
  func.func @transform_1(%arg0: i32) -> (i32, i32, i32) {
    %c0_i32 = arith.constant 0 : i32
    %c0_i32_0 = arith.constant 0 : i32
    %c0_i32_1 = arith.constant 0 : i32
    return %c0_i32, %arg0, %c0_i32_0 : i32, i32, i32
  }
  func.func @transform_2(%arg0: i32) -> (i32, i32) {
    %c0_i32 = arith.constant 0 : i32
    %c0_i32_0 = arith.constant 0 : i32
    %c0_i32_1 = arith.constant 0 : i32
    return %c0_i32, %c0_i32_0 : i32, i32
  }
  func.func @transform_3(%arg0: i32) -> (i32, i32) {
    %c0_i32 = arith.constant 0 : i32
    %c0_i32_0 = arith.constant 0 : i32
    return %arg0, %c0_i32 : i32, i32
  }
}

</mosaic_0001>

<sc_bundles>
// kernel: kernel.4.cloned.1.call-start
scs
__scs_entry_jumppad:
0x0: {  	(pc) =	sbr.rel $0x88, $3  }
0x1: {  	(tag) =	ssettag $0x0;
	lr =	simm.s32 $0x1  }
0x2: {  	[smem:$0x3F9E] =	sst lr;
	_ =	strace $0xD0000000  }
0x3: {  	_ = 	snop  }
0x4: {  	_ = 	snop  }
0x5: {  	_ = 	snop  }
0x6: {  	_ = 	snop  }
0x7: {  	_ = 	snop  }
__scs_overlays_trampoline_lowered:
0x8: {  	[smem:$0x3FAD] =	sst s0  }
0x9: {  	[smem:$0x3FAE] =	sst s1  }
0xa: {  	[smem:$0x3FAF] =	sst s2  }
0xb: {  	[smem:$0x3FB0] =	sst s3  }
0xc: {  	[smem:$0x3FB1] =	sst s4  }
0xd: {  	[smem:$0x3FB2] =	sst s5  }
0xe: {  	[smem:$0x3FB3] =	sst s6  }
0xf: {  	[smem:$0x3FB4] =	sst s7  }
0x10: {  	[smem:$0x3FB5] =	sst s8  }
0x11: {  	[smem:$0x3FB6] =	sst s9;
	s0 =	simm.s32 @!p0 $0x0  }
0x12: {  	s1 =	sld [smem:$0x3F9C];
	s0 =	simm.s32 @p0 $0x1  }
0x13: {  	[smem:$0x3FB7] =	sst s0;
	s0 =	simm.s32 @!p1 $0x0  }
0x14: {  	s2 =	sld [smem:$0x3F9B];
	s0 =	simm.s32 @p1 $0x1  }
0x15: {  	[smem:$0x3FB8] =	sst s0;
	s0 =	simm.s32 @!p2 $0x0  }
0x16: {  	s3 =	sld [smem:$0x3FDB];
	s0 =	simm.s32 @p2 $0x1  }
0x17: {  	s4 =	simm.s32 $0x1BF5;
	[smem:$0x3FBA] =	sst s0  }
0x18: {  	s0 =	sld [smem:$0x3F9D];
	_ =	swait.ge [sflag:s4], $0x0  }
0x19: {  	s7 =	sld [smem:$0x3F9E]  }
0x1a: {  	s8 =	sadd.s32 $0xFFFFE003, lr  }
0x1b: {  	s9 =	sadd.s32 $0xFFFFFEF7, lr;
	s5 =	simm.s32 $0xFFFFFFFF;
	p2 =	slt.u32 s8, $0xFFFFF086  }
0x1c: {  	p1 =	slt.u32 s9, $0xF7A;
	s5 =	simm.s32 @!p2 $0x0  }
0x1d: {  	s5 =	simm.s32 @p1 $0x1;
	p0 =	seq.s32 s7, s2  }
0x1e: {  	s7 =	smul.u32 @!p0 $0xF7A, s2;
	p2 =	seq.s32 @!p0 s5, $0x0  }
0x1f: {  	s9 =	smul.u32 $0xF7A, s1;
	s8 =	simm.s32 @!p0 $0x1BF5;
	p2 =	por !p2, p0  }
0x20: {  	[sflag:s8] =	ssyncset.s32 @!p0 $0xFFFFF086;
	s6 =	sadd.s32 @!p0 s3, s7;
	s7 =	simm.s32 @!p0 $0x108  }
0x21: {  	s3 =	sadd.s32 s3, s9;
	s6 =	sadd.s32 @!p0 $0x88, s6;
	s7 =	simm.s32 @p2 $0x1082  }
0x22: {  	[simem:s7], [sflag:s8] =	dma.local @!p0 [hbm:s6], $0xF7A  }
0x23: {  	s9 =	sor.u32 $0xD0000000, s2;
	s6 =	simm.s32 $0x108;
	_ =	swait.ge @!p0 [sflag:s8], $0x0  }
0x24: {  	s3 =	sadd.s32 $0x88, s3;
	s6 =	simm.s32 @!p1 $0x1082;
	[sflag:s4] =	ssyncset.s32 $0xFFFFF086  }
0x25: {  	[simem:s6], [sflag:s4] =	dma.local [hbm:s3], $0xF7A  }
0x26: {  	[smem:$0x3F9E] =	sst s1;
	(tag) =	ssettag s2;
	_ =	strace s9  }
0x27: {  	s1 =	sld [smem:$0x3FAE]  }
0x28: {  	s2 =	sld [smem:$0x3FAF]  }
0x29: {  	s4 =	sld [smem:$0x3FB1]  }
0x2a: {  	p0 =	seq.s32 s5, $0x0;
	s5 =	sld [smem:$0x3FB2]  }
0x2b: {  	s6 =	sld [smem:$0x3FB3]  }
0x2c: {  	s7 =	sld [smem:$0x3FB4]  }
0x2d: {  	s3 =	simm.s32 $0x108;
	s8 =	sld [smem:$0x3FB5]  }
0x2e: {  	s3 =	simm.s32 @!p0 $0x1082;
	s9 =	sld [smem:$0x3FB6]  }
0x2f: {  	lr =	sadd.s32 s0, s3;
	s0 =	sld [smem:$0x3FAD]  }
0x30: {  	s3 =	sld [smem:$0x3FB0]  }
0x31: {  	[smem:$0x3FB9] =	sst s10  }
0x32: {  	s10 =	sld [smem:$0x3FB7];
	_ =	sdelay $0x3  }
0x33: {  	p0 =	seq.s32 s10, $0x1;
	s10 =	sld [smem:$0x3FB9];
	_ =	sdelay $0x3  }
0x34: {  	[smem:$0x3FB9] =	sst s10  }
0x35: {  	s10 =	sld [smem:$0x3FB8];
	_ =	sdelay $0x3  }
0x36: {  	p1 =	seq.s32 s10, $0x1;
	s10 =	sld [smem:$0x3FB9];
	_ =	sdelay $0x3  }
0x37: {  	[smem:$0x3FB9] =	sst s10  }
0x38: {  	s10 =	sld [smem:$0x3FBA]  }
0x39: {  	_ = 	snop;
	(pc) =	sbr.ind lr, $3  }
0x3a: {  	_ = 	snop  }
0x3b: {  	_ = 	snop  }
0x3c: {  	p2 =	seq.s32 s10, $0x1;
	s10 =	sld [smem:$0x3FB9]  }
0x3d: {  	_ =	shalt  }
0x3e: {  	_ =	shalt  }
0x3f: {  	_ =	shalt  }
0x40: {  	_ =	shalt  }
0x41: {  	_ =	shalt  }
0x42: {  	_ =	shalt  }
0x43: {  	_ =	shalt  }
0x44: {  	_ =	shalt  }
0x45: {  	_ =	shalt  }
0x46: {  	_ =	shalt  }
0x47: {  	_ =	shalt  }
0x48: {  	_ =	shalt  }
0x49: {  	_ =	shalt  }
0x4a: {  	_ =	shalt  }
0x4b: {  	_ =	shalt  }
0x4c: {  	_ =	shalt  }
0x4d: {  	_ =	shalt  }
0x4e: {  	_ =	shalt  }
0x4f: {  	_ =	shalt  }
0x50: {  	_ =	shalt  }
0x51: {  	_ =	shalt  }
0x52: {  	_ =	shalt  }
0x53: {  	_ =	shalt  }
0x54: {  	_ =	shalt  }
0x55: {  	_ =	shalt  }
0x56: {  	_ =	shalt  }
0x57: {  	_ =	shalt  }
0x58: {  	_ =	shalt  }
0x59: {  	_ =	shalt  }
0x5a: {  	_ =	shalt  }
0x5b: {  	_ =	shalt  }
0x5c: {  	_ =	shalt  }
0x5d: {  	_ =	shalt  }
0x5e: {  	_ =	shalt  }
0x5f: {  	_ =	shalt  }
0x60: {  	_ =	shalt  }
0x61: {  	_ =	shalt  }
0x62: {  	_ =	shalt  }
0x63: {  	_ =	shalt  }
0x64: {  	_ =	shalt  }
0x65: {  	_ =	shalt  }
0x66: {  	_ =	shalt  }
0x67: {  	_ =	shalt  }
0x68: {  	_ =	shalt  }
0x69: {  	_ =	shalt  }
0x6a: {  	_ =	shalt  }
0x6b: {  	_ =	shalt  }
0x6c: {  	_ =	shalt  }
0x6d: {  	_ =	shalt  }
0x6e: {  	_ =	shalt  }
0x6f: {  	_ =	shalt  }
0x70: {  	_ =	shalt  }
0x71: {  	_ =	shalt  }
0x72: {  	_ =	shalt  }
0x73: {  	_ =	shalt  }
0x74: {  	_ =	shalt  }
0x75: {  	_ =	shalt  }
0x76: {  	_ =	shalt  }
0x77: {  	_ =	shalt  }
0x78: {  	_ =	shalt  }
0x79: {  	_ =	shalt  }
0x7a: {  	_ =	shalt  }
0x7b: {  	_ =	shalt  }
0x7c: {  	_ =	shalt  }
0x7d: {  	_ =	shalt  }
0x7e: {  	_ =	shalt  }
0x7f: {  	_ =	shalt  }
0x80: {  	_ =	shalt  }
0x81: {  	_ =	shalt  }
0x82: {  	_ =	shalt  }
0x83: {  	_ =	shalt  }
0x84: {  	_ =	shalt  }
0x85: {  	_ =	shalt  }
0x86: {  	_ =	shalt  }
0x87: {  	_ =	shalt  }
.Lfunc_end0:
.L_simem_size_0:
called_computation_lowered:
.L_overlay_start_0:
0x88: {  	s2 =	sld [smem:$0x3FD9]  }
0x89: {  	s3 =	sld [smem:$0x3FFE];
	_ =	sdelay $0x1  }
0x8a: {  	s1 =	srdreg.scid  }
0x8b: {  	s0 =	sand.u32 $0x1, s1  }
0x8c: {  	s17 =	sshll.u32 s0, $0xA;
	s2 =	sadd.s32 s3, s2  }
0x8d: {  	s2 =	sadd.s32 s2, s17  }
0x8e: {  	[smem:$0x3FC5] =	sst s2  }
0x8f: {  	_ = 	snop  }
0x90: {  	s2 =	sld [smem:$0x3FC9]  }
0x91: {  	s18 =	sld [smem:$0x3FD0];
	(tm) =	ssettm $0x1  }
0x92: {  	s4 =	sld [smem:$0x3FFB];
	_ =	sdelay $0x3  }
0x93: {  	_ =	strace s4  }
0x94: {  	s4 =	sld [smem:$0x3FFC];
	_ =	sdelay $0x3  }
0x95: {  	_ =	strace s4  }
0x96: {  	s4 =	sld [smem:$0x3FFD];
	_ =	sdelay $0x3  }
0x97: {  	_ =	strace s4  }
0x98: {  	_ =	strace $0x8FFFFFFF  }
0x99: {  	s19 =	sld [smem:$0x3FDB];
	_ =	sdelay $0x1  }
0x9a: {  	s5 =	simm.s32 $_scs_section_size  }
0x9b: {  	s6 =	simm.s32 $_size__tile_overlayer_lowered;
	s7 =	simm.s32 $_tile_overlayer_lowered  }
0x9c: {  	s22 =	simm.s32 $0x1BFF;
	s21 =	sshll.u32 s7, $0x1;
	s4 =	sadd.s32 s5, s19  }
0x9d: {  	s8 =	simm.s32 $0x0;
	s20 =	sshll.u32 s6, $0x1;
	s6 =	sadd.s32 s21, s4  }
0x9e: {  	[timem:s8], [sflag:s22] =	dma.local [hbm:s6], s20  }
0x9f: {  	_ =	swait.ge [sflag:s22], s20  }
0xa0: {  	s5 =	ssub.s32 $0x0, s20;
	[sflag:s22] =	ssyncset.done $0x0  }
0xa1: {  	[sflag:s22] =	ssyncadd.s32 s5;
	_ =	sdelay $0x1  }
0xa2: {  	s23 =	simm.s32 $0x1B8B  }
0xa3: {  	_ =	swait.ge [sflag:s23], $0x1  }
0xa4: {  	[sflag:s23] =	ssyncset.done $0x0  }
0xa5: {  	s25 =	simm.s32 $0x1B8E;
	s24 =	sld [smem:$0x3FFE];
	[sflag:s23] =	ssyncadd.s32 $0xFFFFFFFF  }
0xa6: {  	s26 =	simm.s32 $execute0_lowered;
	[smem:$0x3FD2] =	sst s25  }
0xa7: {  	s6 =	sshll.u32 s26, $0x1;
	_ =	strace $0x80000046;
	[dreg:$0x1] =	wrdreg $0xFFFFFFFF  }
0xa8: {  	s28 =	simm.s32 $_size_execute0_lowered;
	s4 =	sadd.s32 s4, s6;
	[dreg:$0x0] =	wrdreg $0x0  }
0xa9: {  	s6 =	sshll.u32 s28, $0x1;
	[dreg:$0x2] =	wrdreg s4  }
0xaa: {  	[dreg:$0x3] =	wrdreg s6  }
0xab: {  	[dreg:$0x4] =	wrdreg $0xC0  }
0xac: {  	_ =	task [dreg:s8], $0x5FFFF  }
0xad: {  	[dreg:$0x1] =	wrdreg $0xFFFFFFFF  }
0xae: {  	[dreg:$0x0] =	wrdreg $0x60  }
0xaf: {  	[dreg:$0x2] =	wrdreg s2  }
0xb0: {  	[dreg:$0x3] =	wrdreg s24  }
0xb1: {  	[dreg:$0x4] =	wrdreg s18  }
0xb2: {  	[dreg:$0x5] =	wrdreg $0x0  }
0xb3: {  	[dreg:$0x6] =	wrdreg $0x138800  }
0xb4: {  	[dreg:$0x7] =	wrdreg $0x9  }
0xb5: {  	_ =	task.clear_ibuf [dreg:s8], $0x8FFFF;
	_ =	strace $0x90000046  }
0xb6: {  	s29 =	simm.s32 $0x9;
	_ =	strace $0x80000048  }
0xb7: {  	_ =	swait.ge [sflag:s29], $0x1  }
0xb8: {  	[sflag:s29] =	ssyncadd.s32 $0xFFFFFFFF  }
0xb9: {  	_ =	strace $0x90000048  }
0xba: {  	_ =	sfence  }
0xbb: {  	s30 =	sld [smem:$0x0];
	_ =	sdelay $0x2  }
0xbc: {  	s31 =	sshll.u32 s1, $0xD;
	s1 =	sshrl.u32 s1, $0x2  }
0xbd: {  	s3 =	sand.u32 $0x4000, s31;
	s1 =	sadd.s32 s1, s30  }
0xbe: {  	s0 =	sor.u32 s3, s0;
	s1 =	sshll.u32 s1, $0x11  }
0xbf: {  	s0 =	sor.u32 s1, s0  }
0xc0: {  	s0 =	sadd.s32 $0x8F2B, s0  }
0xc1: {  	[sflag:s0] =	ssyncadd.remote.s32 $0x1  }
0xc2: {  	_ =	sfence.sel $0xFFFF  }
0xc3: {  	[dreg:$0x0] =	wrdreg $0xFFFFFFFF;
	(pc) =	sbr.abs _section_cstart, $3  }
0xc4: {  	[dreg:$0x1] =	wrdreg $0xFFFFFFFF  }
0xc5: {  	_ =	task.clear_ibuf [dreg:s8], $0x2FFFF;
	_ =	strace $0x9FFFFFFF  }
0xc6: {  	(tm) =	ssettm $0x7FFFFFFF  }
0xc7: {  	_ =	shalt  }
tec
execute0_lowered:
.L_overlay_start_1:
0x0: {  	(tag) =	ssettag $0x1  }
0x1: {  	s0 =	rddreg [dreg:$0x0]  }
0x2: {  	s2 =	rddreg [dreg:$0x1]  }
0x3: {  	s1 =	srdreg.scid;
	s5 =	rddreg [dreg:$0x2]  }
0x4: {  	s24 =	stileid.u32;
	s3 =	rddreg [dreg:$0x3];
	s29 =	simm.s32 $0x0  }
0x5: {  	s31 =	simm.s32 $0x50;
	s30 =	simm.s32 $0x186F0;
	s1 =	sand.u32 $0x1, s1  }
0x6: {  	[smem:$0x7FF] =	sst s29;
	s12 =	smul.u32 $0x280, s24;
	s7 =	sadd.s32 $0xA200, s2  }
0x7: {  	p0 =	seq.s32 s24, $0xF;
	s4 =	sshll.u32 s1, $0x4;
	s10 =	ssub.s32 $0x2, s1  }
0x8: {  	s6 =	sor.u32 s24, s4;
	s4 =	rddreg [dreg:$0x4];
	_ =	strace $0x80000047  }
0x9: {  	s11 =	sshrl.u32 s10, $0x1;
	s23 =	sor.u32 $0x50, s12;
	s26 =	sadd.s32 $0xA0, s12  }
0xa: {  	s28 =	sadd.s32 $0xF0, s12;
	s14 =	sadd.s32 $0x190, s12;
	s6 =	smul.u32 $0x2710, s6  }
0xb: {  	s13 =	sshll.u32 s26, $0x7;
	s15 =	sshll.u32 s26, $0x4;
	s17 =	sshll.u32 s28, $0x7  }
0xc: {  	s18 =	sshll.u32 s28, $0x4;
	s21 =	sshll.u32 s14, $0x7;
	s8 =	sshrl.u32 s6, $0x3  }
0xd: {  	s22 =	sshll.u32 s14, $0x4;
	s6 =	sadd.s32 $0x14000, s2;
	s9 =	sadd.s32 s8, s2  }
0xe: {  	s2 =	ssub.s32 s10, s11;
	s25 =	sadd.s32 s5, s8;
	s5 =	smul.u32 $0x14000, s24  }
0xf: {  	s8 =	sshll.u32 s23, $0x4;
	s11 =	sadd.s32 $0x140, s12;
	s10 =	sadd.s32 $0x1E0, s12  }
0x10: {  	s9 =	sadd.s32 $0x400, s9;
	s19 =	sshll.u32 s11, $0x7;
	s20 =	sshll.u32 s11, $0x4  }
0x11: {  	s14 =	sshll.u32 s10, $0x7;
	s16 =	sshll.u32 s10, $0x4;
	[dreg:$0x7] =	wrdreg s25  }
0x12: {  	s11 =	smul.u32 $0x138800, s1;
	s2 =	smax.u32 s2, $0x1;
	[dreg:$0x6] =	wrdreg s9  }
0x13: {  	s10 =	simm.s32 @p0 $0x2760;
	s14 =	sadd.s32 s14, s3;
	[dreg:$0x1f] =	wrdreg s2  }
0x14: {  	s9 =	sshll.u32 s23, $0x7;
	s16 =	sadd.s32 s16, s4;
	[dreg:$0x8] =	wrdreg s14  }
0x15: {  	s23 =	sadd.s32 s5, s3;
	s2 =	simm.s32 $0x5;
	[dreg:$0x9] =	wrdreg s16  }
0x16: {  	s14 =	sadd.s32 $0x230, s12;
	[dreg:$0xa] =	wrdreg s23;
	s16 =	smul.u32 $0x27100, s1  }
0x17: {  	s5 =	sadd.s32 s5, s11;
	s1 =	smul.u32 $0x2800, s24;
	s24 =	simm.s32 $0x1  }
0x18: {  	s26 =	sshll.u32 s14, $0x7;
	s23 =	sshll.u32 s14, $0x4;
	s5 =	sshrl.u32 s5, $0x3  }
0x19: {  	s14 =	simm.s32 @p0 $0x27B0;
	s12 =	sadd.s32 s26, s3;
	s28 =	sadd.s32 s23, s4  }
0x1a: {  	s5 =	sadd.s32 s6, s5;
	s23 =	sadd.s32 s9, s3;
	[dreg:$0xb] =	wrdreg s12  }
0x1b: {  	s26 =	sadd.s32 s11, s9;
	s9 =	sadd.s32 s13, s3;
	[dreg:$0xc] =	wrdreg s28  }
0x1c: {  	[dreg:$0xd] =	wrdreg s5;
	s12 =	sadd.s32 s1, s4;
	s1 =	sadd.s32 s1, s16  }
0x1d: {  	[dreg:$0xf] =	wrdreg s23;
	s5 =	sshrl.u32 s26, $0x3;
	s28 =	sadd.s32 s8, s4  }
0x1e: {  	s8 =	sadd.s32 s16, s8;
	[dreg:$0x14] =	wrdreg s9;
	s23 =	sadd.s32 s16, s15  }
0x1f: {  	s26 =	sadd.s32 s17, s3;
	[dreg:$0xe] =	wrdreg s12;
	s1 =	sshrl.u32 s1, $0x3  }
0x20: {  	[dreg:$0x10] =	wrdreg s28;
	s5 =	sadd.s32 s6, s5;
	s8 =	sshrl.u32 s8, $0x3  }
0x21: {  	s12 =	sadd.s32 s11, s13;
	s13 =	sadd.s32 s15, s4;
	[dreg:$0x16] =	wrdreg s26  }
0x22: {  	s28 =	sadd.s32 s11, s17;
	s15 =	sadd.s32 s11, s19;
	[dreg:$0x12] =	wrdreg s5  }
0x23: {  	s1 =	sadd.s32 s7, s1;
	[dreg:$0x15] =	wrdreg s13;
	s5 =	sshrl.u32 s23, $0x3  }
0x24: {  	s13 =	sadd.s32 s16, s18;
	s17 =	sshrl.u32 s15, $0x3;
	s23 =	sadd.s32 s16, s22  }
0x25: {  	s15 =	simm.s32 $0x4;
	[dreg:$0x11] =	wrdreg s1;
	s1 =	sadd.s32 s7, s8  }
0x26: {  	s9 =	sadd.s32 s7, s5;
	s5 =	sshrl.u32 s13, $0x3;
	s8 =	sadd.s32 s19, s3  }
0x27: {  	s19 =	sadd.s32 s6, s17;
	s26 =	sshrl.u32 s23, $0x3;
	s13 =	simm.s32 $0x19A50  }
0x28: {  	s17 =	simm.s32 $0x1EA50;
	s23 =	simm.s32 $0x1C250;
	[dreg:$0x13] =	wrdreg s1  }
0x29: {  	s1 =	sshrl.u32 s12, $0x3;
	[dreg:$0x18] =	wrdreg s9;
	s12 =	sshrl.u32 s28, $0x3  }
0x2a: {  	s9 =	sadd.s32 s20, s4;
	[dreg:$0x1b] =	wrdreg s19;
	s1 =	sadd.s32 s6, s1  }
0x2b: {  	s5 =	sadd.s32 s7, s5;
	[dreg:$0x17] =	wrdreg s1;
	s1 =	sadd.s32 s6, s12  }
0x2c: {  	[dreg:$0x19] =	wrdreg s1;
	s1 =	sadd.s32 s18, s4;
	s18 =	sadd.s32 s16, s20  }
0x2d: {  	s19 =	sadd.s32 s22, s4;
	[dreg:$0x1a] =	wrdreg s5;
	s20 =	sshrl.u32 s18, $0x3  }
0x2e: {  	s18 =	sadd.s32 s21, s3;
	s21 =	sadd.s32 s11, s21;
	s5 =	sadd.s32 s7, s20  }
0x2f: {  	s28 =	sadd.s32 $0x276, s25;
	[dreg:$0x1c] =	wrdreg s5;
	s5 =	sshrl.u32 s21, $0x3  }
0x30: {  	s25 =	simm.s32 $0x2;
	[smem:$0x7FD] =	sst s28;
	s5 =	sadd.s32 s6, s5  }
0x31: {  	s12 =	simm.s32 $0x186A0;
	[dreg:$0x1d] =	wrdreg s5;
	s5 =	sadd.s32 s7, s26  }
0x32: {  	v0 =	vimm.f32 $0.0e+00;
	v1 =	vimm.f32 $1.000000000e+00;
	s20 =	simm.s32 $0x0;
	[dreg:$0x1e] =	wrdreg s5;
	s5 =	simm.s32 $0x3  }
.LBB2_1:
0x33: {  	s21 =	rddreg [dreg:$0x6];
	s22 =	simm.s32 $0x15F90  }
0x34: {  	[tilespmem:s22], [sflag:$0x5] =	stream.linear.gather [hbm4b:s21+s29], $0x2710, $0x38;
	[tilespmem:$0x1EF50] =	vst v63  }
0x35: {  	_ =	swait.ge [sflag:s2], $0x2710  }
0x36: {  	[sflag:s2] =	ssyncset.done $0x0  }
0x37: {  	s28 =	rddreg [dreg:$0x7];
	[sflag:s2] =	ssyncadd.s32 $0xFFFFD8F0  }
0x38: {  	[tilespmem:s12], [sflag:$0x5] =	stream.linear.gather [hbm4b:s28+s29], $0x13B0, $0x38;
	[tilespmem:$0x1EF50] =	vst v63  }
0x39: {  	_ =	swait.ge [sflag:s2], $0x13B0  }
0x3a: {  	[sflag:s2] =	ssyncset.done $0x0  }
0x3b: {  	s21 =	simm.s32 $0x19A90;
	[sflag:s2] =	ssyncadd.s32 $0xFFFFEC50  }
0x3c: {  	[tilespmem:s21+$0xFFFFFFD0] =	vst v0  }
0x3d: {  	[tilespmem:s21+$0xFFFFFFE0] =	vst v0  }
0x3e: {  	[tilespmem:s21+$0xFFFFFFF0] =	vst v0  }
0x3f: {  	[tilespmem:s21+$0x0] =	vst v0  }
0x40: {  	[tilespmem:s21+$0x10] =	vst v0  }
0x41: {  	[tilespmem:s21+$0x20] =	vst v0  }
0x42: {  	[tilespmem:s21+$0x30] =	vst v0  }
0x43: {  	s26 =	simm.s32 $0x0;
	s22 =	simm.s32 $0x40;
	[tilespmem:s21+$0xFFFFFFC0] =	vst v0  }
.LBB2_2:
0x44: {  	p1 =	sne.s32 s22, $0x13C0;
	[tilespmem:s26+$0x1EA50] =	vst v0;
	s21 =	sadd.s32 $0x80, s21  }
0x45: {  	[tilespmem:s21+$0xFFFFFFD0] =	vst v0  }
0x46: {  	[tilespmem:s21+$0xFFFFFFE0] =	vst v0  }
0x47: {  	[tilespmem:s21+$0xFFFFFFF0] =	vst v0  }
.Ltmp0:
0x48: {  	[tilespmem:s21+$0x0] =	vst v0;
	(pc) =	sbr.rel @p1 .LBB2_2-.Ltmp0, $4  }
0x49: {  	[tilespmem:s21+$0x10] =	vst v0  }
0x4a: {  	[tilespmem:s21+$0x20] =	vst v0  }
0x4b: {  	[tilespmem:s21+$0x30] =	vst v0  }
0x4c: {  	s26 =	sshra.s32 s22, $0x2;
	s22 =	sadd.s32 $0x40, s22;
	[tilespmem:s21+$0xFFFFFFC0] =	vst v0  }
0x4d: {  	[tilespmem:s26+$0x1EA50] =	vst v0;
	s21 =	rddreg [dreg:$0xa]  }
0x4e: {  	[spmem:s21] =	stream.linear.scatter [tilespmem:s13], [sflag:$0x5], $0x2800, $0x38;
	[tilespmem:$0x1EF50] =	vst v63  }
0x4f: {  	_ =	swait.ge [sflag:s2], $0x2800  }
0x50: {  	[sflag:s2] =	ssyncset.done $0x0  }
0x51: {  	s28 =	rddreg [dreg:$0xe];
	[sflag:s2] =	ssyncadd.s32 $0xFFFFD800  }
0x52: {  	[spmem:s28] =	stream.linear.scatter [tilespmem:s17], [sflag:$0x5], $0x500, $0x38;
	[tilespmem:$0x1EF50] =	vst v63  }
0x53: {  	_ =	swait.ge [sflag:s2], $0x500  }
0x54: {  	[sflag:s2] =	ssyncset.done $0x0  }
0x55: {  	s29 =	rddreg [dreg:$0xf];
	[sflag:s2] =	ssyncadd.s32 $0xFFFFFB00  }
0x56: {  	[spmem:s29] =	stream.linear.scatter [tilespmem:s13], [sflag:$0x5], $0x2800, $0x38;
	[tilespmem:$0x1EF50] =	vst v63  }
0x57: {  	_ =	swait.ge [sflag:s2], $0x2800  }
0x58: {  	[sflag:s2] =	ssyncset.done $0x0  }
0x59: {  	s22 =	rddreg [dreg:$0x10];
	[sflag:s2] =	ssyncadd.s32 $0xFFFFD800  }
0x5a: {  	[spmem:s22] =	stream.linear.scatter [tilespmem:s17], [sflag:$0x5], $0x500, $0x38;
	[tilespmem:$0x1EF50] =	vst v63  }
0x5b: {  	_ =	swait.ge [sflag:s2], $0x500  }
0x5c: {  	[sflag:s2] =	ssyncset.done $0x0  }
0x5d: {  	s26 =	rddreg [dreg:$0x14];
	[sflag:s2] =	ssyncadd.s32 $0xFFFFFB00  }
0x5e: {  	[spmem:s26] =	stream.linear.scatter [tilespmem:s13], [sflag:$0x5], $0x2800, $0x38;
	[tilespmem:$0x1EF50] =	vst v63  }
0x5f: {  	_ =	swait.ge [sflag:s2], $0x2800  }
0x60: {  	[sflag:s2] =	ssyncset.done $0x0  }
0x61: {  	s28 =	rddreg [dreg:$0x15];
	[sflag:s2] =	ssyncadd.s32 $0xFFFFD800  }
0x62: {  	[spmem:s28] =	stream.linear.scatter [tilespmem:s17], [sflag:$0x5], $0x500, $0x38;
	[tilespmem:$0x1EF50] =	vst v63  }
0x63: {  	_ =	swait.ge [sflag:s2], $0x500  }
0x64: {  	[sflag:s2] =	ssyncset.done $0x0  }
0x65: {  	s29 =	rddreg [dreg:$0x16];
	[sflag:s2] =	ssyncadd.s32 $0xFFFFFB00  }
0x66: {  	[spmem:s29] =	stream.linear.scatter [tilespmem:s13], [sflag:$0x5], $0x2800, $0x38;
	[tilespmem:$0x1EF50] =	vst v63  }
0x67: {  	_ =	swait.ge [sflag:s2], $0x2800  }
0x68: {  	[sflag:s2] =	ssyncset.done $0x0  }
0x69: {  	[sflag:s2] =	ssyncadd.s32 $0xFFFFD800  }
0x6a: {  	[spmem:s1] =	stream.linear.scatter [tilespmem:s17], [sflag:$0x5], $0x500, $0x38;
	[tilespmem:$0x1EF50] =	vst v63  }
0x6b: {  	_ =	swait.ge [sflag:s2], $0x500  }
0x6c: {  	[sflag:s2] =	ssyncset.done $0x0  }
0x6d: {  	[sflag:s2] =	ssyncadd.s32 $0xFFFFFB00  }
0x6e: {  	[spmem:s8] =	stream.linear.scatter [tilespmem:s13], [sflag:$0x5], $0x2800, $0x38;
	[tilespmem:$0x1EF50] =	vst v63  }
0x6f: {  	_ =	swait.ge [sflag:s2], $0x2800  }
0x70: {  	[sflag:s2] =	ssyncset.done $0x0  }
0x71: {  	[sflag:s2] =	ssyncadd.s32 $0xFFFFD800  }
0x72: {  	[spmem:s9] =	stream.linear.scatter [tilespmem:s17], [sflag:$0x5], $0x500, $0x38;
	[tilespmem:$0x1EF50] =	vst v63  }
0x73: {  	_ =	swait.ge [sflag:s2], $0x500  }
0x74: {  	[sflag:s2] =	ssyncset.done $0x0  }
0x75: {  	s21 =	simm.s32 @!p0 $0x19A50;
	s22 =	simm.s32 @!p0 $0x5;
	[sflag:s2] =	ssyncadd.s32 $0xFFFFFB00  }
0x76: {  	[spmem:s18] =	stream.linear.scatter @!p0 [tilespmem:s21], [sflag:$0x5], $0x2800, $0x38;
	[tilespmem:$0x1EF50] =	vst v63  }
0x77: {  	_ =	swait.ge @!p0 [sflag:s22], $0x2800  }
0x78: {  	[sflag:s22] =	ssyncset.done @!p0 $0x0  }
0x79: {  	s26 =	simm.s32 @!p0 $0x1EA50;
	[sflag:s22] =	ssyncadd.s32 @!p0 $0xFFFFD800  }
0x7a: {  	[spmem:s19] =	stream.linear.scatter @!p0 [tilespmem:s26], [sflag:$0x5], $0x500, $0x38;
	[tilespmem:$0x1EF50] =	vst v63  }
0x7b: {  	_ =	swait.ge @!p0 [sflag:s22], $0x500  }
0x7c: {  	[sflag:s22] =	ssyncset.done @!p0 $0x0  }
0x7d: {  	s28 =	rddreg [dreg:$0x8];
	[sflag:s22] =	ssyncadd.s32 @!p0 $0xFFFFFB00  }
0x7e: {  	[spmem:s28] =	stream.linear.scatter @!p0 [tilespmem:s21], [sflag:$0x5], $0x2800, $0x38;
	[tilespmem:$0x1EF50] =	vst v63  }
0x7f: {  	_ =	swait.ge @!p0 [sflag:s22], $0x2800  }
0x80: {  	[sflag:s22] =	ssyncset.done @!p0 $0x0  }
0x81: {  	s28 =	rddreg [dreg:$0x9];
	[sflag:s22] =	ssyncadd.s32 @!p0 $0xFFFFD800  }
0x82: {  	[spmem:s28] =	stream.linear.scatter @!p0 [tilespmem:s26], [sflag:$0x5], $0x500, $0x38;
	[tilespmem:$0x1EF50] =	vst v63  }
0x83: {  	_ =	swait.ge @!p0 [sflag:s22], $0x500  }
0x84: {  	[sflag:s22] =	ssyncset.done @!p0 $0x0  }
0x85: {  	s28 =	rddreg [dreg:$0xb];
	[sflag:s22] =	ssyncadd.s32 @!p0 $0xFFFFFB00  }
0x86: {  	[spmem:s28] =	stream.linear.scatter @!p0 [tilespmem:s21], [sflag:$0x5], $0x2800, $0x38;
	[tilespmem:$0x1EF50] =	vst v63  }
0x87: {  	_ =	swait.ge @!p0 [sflag:s22], $0x2800  }
0x88: {  	[sflag:s22] =	ssyncset.done @!p0 $0x0  }
0x89: {  	s21 =	rddreg [dreg:$0xc];
	[sflag:s22] =	ssyncadd.s32 @!p0 $0xFFFFD800  }
0x8a: {  	[spmem:s21] =	stream.linear.scatter @!p0 [tilespmem:s26], [sflag:$0x5], $0x500, $0x38;
	[tilespmem:$0x1EF50] =	vst v63  }
0x8b: {  	_ =	swait.ge @!p0 [sflag:s22], $0x500  }
0x8c: {  	[sflag:s22] =	ssyncset.done @!p0 $0x0  }
0x8d: {  	s21 =	simm.s32 $0x40;
	[sflag:s22] =	ssyncadd.s32 @!p0 $0xFFFFFB00;
	s22 =	simm.s32 $0x0  }
.LBB2_4:
0x8e: {  	p1 =	sne.s32 s21, $0x13C0;
	[tilespmem:s22+$0x1EA50] =	vst v1;
	s22 =	smov.u32 s21;
	s21 =	sadd.s32 $0x40, s21  }
.Ltmp1:
0x8f: {  	(pc) =	sbr.rel @p1 .LBB2_4-.Ltmp1, $2  }
0x90: {  	_ =	sdelay $0x2  }
0x91: {  	s22 =	sshra.s32 s22, $0x2  }
0x92: {  	[tilespmem:s22+$0x1EA50] =	vst v1  }
0x93: {  	s21 =	simm.s32 $0x15F90;
	[bflag:$0x0] =	sbarrier.arrive $0xFFFF  }
0x94: {  	[tilespmem:s13], [sflag:$0x1] =	stream.indirect.gather [hbm4b:s0+s31], $0x80, s21, s31, $0xb8;
	[tilespmem:$0x1EF50] =	vst v63  }
0x95: {  	s29 =	simm.s32 $0x15FE0  }
0x96: {  	[tilespmem:s23], [sflag:$0x2] =	stream.indirect.gather [hbm4b:s0+s31], $0x80, s29, s31, $0xb8;
	[tilespmem:$0x1EF50] =	vst v63  }
0x97: {  	_ =	swait.ge [sflag:s24], $0x2800  }
0x98: {  	[sflag:s24] =	ssyncset.done $0x0  }
0x99: {  	[sflag:s24] =	ssyncadd.s32 $0xFFFFD800  }
0x9a: {  	[spmem:s3] =	stream.indirect.scatter.add.f32 [tilespmem:s13], [sflag:$0x5], $0x80, s12, s31, $0xb8;
	[tilespmem:$0x1EF50] =	vst v63  }
0x9b: {  	_ =	swait.ge [sflag:s2], $0x2800  }
0x9c: {  	[sflag:s2] =	ssyncset.done $0x0  }
0x9d: {  	[sflag:s2] =	ssyncadd.s32 $0xFFFFD800  }
0x9e: {  	[spmem:s4] =	stream.indirect.scatter.add.f32 [tilespmem:s17], [sflag:$0x3], $0x10, s12, s31, $0xb8;
	[tilespmem:$0x1EF50] =	vst v63  }
0x9f: {  	s22 =	simm.s32 $0x16030  }
0xa0: {  	[tilespmem:s13], [sflag:$0x1] =	stream.indirect.gather [hbm4b:s0+s31], $0x80, s22, s31, $0xb8;
	[tilespmem:$0x1EF50] =	vst v63  }
0xa1: {  	_ =	swait.ge [sflag:s25], $0x2800  }
0xa2: {  	[sflag:s25] =	ssyncset.done $0x0  }
0xa3: {  	[sflag:s25] =	ssyncadd.s32 $0xFFFFD800  }
0xa4: {  	[spmem:s3] =	stream.indirect.scatter.add.f32 [tilespmem:s23], [sflag:$0x5], $0x80, s30, s31, $0xb8;
	[tilespmem:$0x1EF50] =	vst v63  }
0xa5: {  	_ =	swait.ge [sflag:s2], $0x2800  }
0xa6: {  	[sflag:s2] =	ssyncset.done $0x0  }
0xa7: {  	[sflag:s2] =	ssyncadd.s32 $0xFFFFD800  }
0xa8: {  	[spmem:s4] =	stream.indirect.scatter.add.f32 [tilespmem:s17], [sflag:$0x4], $0x10, s30, s31, $0xb8;
	[tilespmem:$0x1EF50] =	vst v63  }
0xa9: {  	s26 =	simm.s32 $0x16080  }
0xaa: {  	[tilespmem:s23], [sflag:$0x2] =	stream.indirect.gather [hbm4b:s0+s31], $0x80, s26, s31, $0xb8;
	[tilespmem:$0x1EF50] =	vst v63  }
0xab: {  	_ =	swait.ge [sflag:s24], $0x2800  }
0xac: {  	[sflag:s24] =	ssyncset.done $0x0  }
0xad: {  	s28 =	simm.s32 $0x18740;
	[sflag:s24] =	ssyncadd.s32 $0xFFFFD800  }
0xae: {  	[spmem:s3] =	stream.indirect.scatter.add.f32 [tilespmem:s13], [sflag:$0x5], $0x80, s28, s31, $0xb8;
	[tilespmem:$0x1EF50] =	vst v63  }
0xaf: {  	_ =	swait.ge [sflag:s2], $0x2800  }
0xb0: {  	[sflag:s2] =	ssyncset.done $0x0  }
0xb1: {  	[sflag:s2] =	ssyncadd.s32 $0xFFFFD800  }
0xb2: {  	_ =	swait.ge [sflag:s5], $0x500  }
0xb3: {  	[sflag:s5] =	ssyncset.done $0x0  }
0xb4: {  	[sflag:s5] =	ssyncadd.s32 $0xFFFFFB00  }
0xb5: {  	[spmem:s4] =	stream.indirect.scatter.add.f32 [tilespmem:s17], [sflag:$0x3], $0x10, s28, s31, $0xb8;
	[tilespmem:$0x1EF50] =	vst v63  }
0xb6: {  	s29 =	simm.s32 $0x160D0  }
0xb7: {  	[tilespmem:s13], [sflag:$0x1] =	stream.indirect.gather [hbm4b:s0+s31], $0x80, s29, s31, $0xb8;
	[tilespmem:$0x1EF50] =	vst v63  }
0xb8: {  	_ =	swait.ge [sflag:s25], $0x2800  }
0xb9: {  	[sflag:s25] =	ssyncset.done $0x0  }
0xba: {  	s22 =	simm.s32 $0x18790;
	[sflag:s25] =	ssyncadd.s32 $0xFFFFD800  }
0xbb: {  	[spmem:s3] =	stream.indirect.scatter.add.f32 [tilespmem:s23], [sflag:$0x5], $0x80, s22, s31, $0xb8;
	[tilespmem:$0x1EF50] =	vst v63  }
0xbc: {  	_ =	swait.ge [sflag:s2], $0x2800  }
0xbd: {  	[sflag:s2] =	ssyncset.done $0x0  }
0xbe: {  	[sflag:s2] =	ssyncadd.s32 $0xFFFFD800  }
0xbf: {  	_ =	swait.ge [sflag:s15], $0x500  }
0xc0: {  	[sflag:s15] =	ssyncset.done $0x0  }
0xc1: {  	s21 =	simm.s32 $0xFFFFEDE0;
	s26 =	simm.s32 $0xFFFFBA00;
	[sflag:s15] =	ssyncadd.s32 $0xFFFFFB00  }
.LBB2_6:
0xc2: {  	[spmem:s4] =	stream.indirect.scatter.add.f32 [tilespmem:s17], [sflag:$0x4], $0x10, s22, s31, $0xb8;
	[tilespmem:$0x1EF50] =	vst v63  }
0xc3: {  	s22 =	smov.u32 s26  }
0xc4: {  	s29 =	sadd.s32 $0x280, s26;
	s28 =	sshra.s32 s22, $0x2;
	s22 =	sadd.s32 $0x17340, s21  }
0xc5: {  	[tilespmem:s23], [sflag:$0x2] =	stream.indirect.gather [hbm4b:s0+s31], $0x80, s22, s31, $0xb8;
	[tilespmem:$0x1EF50] =	vst v63  }
0xc6: {  	p1 =	sne.s32 s26, $0xFFFFFD80;
	_ =	swait.ge [sflag:s24], $0x2800  }
0xc7: {  	[sflag:s24] =	ssyncset.done $0x0  }
0xc8: {  	s22 =	sadd.s32 $0x19A00, s21;
	[sflag:s24] =	ssyncadd.s32 $0xFFFFD800  }
0xc9: {  	[spmem:s3] =	stream.indirect.scatter.add.f32 [tilespmem:s13], [sflag:$0x5], $0x80, s22, s31, $0xb8;
	[tilespmem:$0x1EF50] =	vst v63  }
0xca: {  	_ =	swait.ge [sflag:s2], $0x2800  }
0xcb: {  	[sflag:s2] =	ssyncset.done $0x0  }
0xcc: {  	[sflag:s2] =	ssyncadd.s32 $0xFFFFD800  }
0xcd: {  	_ =	swait.ge [sflag:s5], $0x500  }
0xce: {  	[sflag:s5] =	ssyncset.done $0x0  }
0xcf: {  	[sflag:s5] =	ssyncadd.s32 $0xFFFFFB00  }
0xd0: {  	[spmem:s4] =	stream.indirect.scatter.add.f32 [tilespmem:s17], [sflag:$0x3], $0x10, s22, s31, $0xb8;
	[tilespmem:$0x1EF50] =	vst v63  }
0xd1: {  	s22 =	sadd.s32 $0x17390, s21  }
0xd2: {  	[tilespmem:s13], [sflag:$0x1] =	stream.indirect.gather [hbm4b:s0+s31], $0x80, s22, s31, $0xb8;
	[tilespmem:$0x1EF50] =	vst v63  }
0xd3: {  	_ =	swait.ge [sflag:s25], $0x2800  }
0xd4: {  	[sflag:s25] =	ssyncset.done $0x0  }
0xd5: {  	s22 =	sadd.s32 $0x19A50, s21;
	s21 =	smov.u32 s28;
	[sflag:s25] =	ssyncadd.s32 $0xFFFFD800  }
0xd6: {  	[spmem:s3] =	stream.indirect.scatter.add.f32 [tilespmem:s23], [sflag:$0x5], $0x80, s22, s31, $0xb8;
	[tilespmem:$0x1EF50] =	vst v63  }
0xd7: {  	_ =	swait.ge [sflag:s2], $0x2800  }
.Ltmp2:
0xd8: {  	[sflag:s2] =	ssyncset.done $0x0;
	(pc) =	sbr.rel @p1 .LBB2_6-.Ltmp2, $4  }
0xd9: {  	[sflag:s2] =	ssyncadd.s32 $0xFFFFD800  }
0xda: {  	_ =	swait.ge [sflag:s15], $0x500  }
0xdb: {  	[sflag:s15] =	ssyncset.done $0x0  }
0xdc: {  	s26 =	smov.u32 s29;
	[sflag:s15] =	ssyncadd.s32 $0xFFFFFB00  }
0xdd: {  	[spmem:s4] =	stream.indirect.scatter.add.f32 [tilespmem:s17], [sflag:$0x4], $0x10, s22, s31, $0xb8;
	[tilespmem:$0x1EF50] =	vst v63  }
0xde: {  	s28 =	sadd.s32 $0x17340, s21  }
0xdf: {  	[tilespmem:s23], [sflag:$0x2] =	stream.indirect.gather [hbm4b:s0+s31], $0x80, s28, s31, $0xb8;
	[tilespmem:$0x1EF50] =	vst v63  }
0xe0: {  	_ =	swait.ge [sflag:s24], $0x2800  }
0xe1: {  	[sflag:s24] =	ssyncset.done $0x0  }
0xe2: {  	s26 =	sadd.s32 $0x19A00, s21;
	[sflag:s24] =	ssyncadd.s32 $0xFFFFD800  }
0xe3: {  	[spmem:s3] =	stream.indirect.scatter.add.f32 [tilespmem:s13], [sflag:$0x5], $0x80, s26, s31, $0xb8;
	[tilespmem:$0x1EF50] =	vst v63  }
0xe4: {  	_ =	swait.ge [sflag:s2], $0x2800  }
0xe5: {  	[sflag:s2] =	ssyncset.done $0x0  }
0xe6: {  	[sflag:s2] =	ssyncadd.s32 $0xFFFFD800  }
0xe7: {  	_ =	swait.ge [sflag:s5], $0x500  }
0xe8: {  	[sflag:s5] =	ssyncset.done $0x0  }
0xe9: {  	[sflag:s5] =	ssyncadd.s32 $0xFFFFFB00  }
0xea: {  	[spmem:s4] =	stream.indirect.scatter.add.f32 [tilespmem:s17], [sflag:$0x3], $0x10, s26, s31, $0xb8;
	[tilespmem:$0x1EF50] =	vst v63  }
0xeb: {  	s28 =	sadd.s32 $0x17390, s21  }
0xec: {  	[tilespmem:s13], [sflag:$0x1] =	stream.indirect.gather [hbm4b:s0+s31], $0x80, s28, s31, $0xb8;
	[tilespmem:$0x1EF50] =	vst v63  }
0xed: {  	_ =	swait.ge [sflag:s25], $0x2800  }
0xee: {  	[sflag:s25] =	ssyncset.done $0x0  }
0xef: {  	s22 =	sadd.s32 $0x19A50, s21;
	[sflag:s25] =	ssyncadd.s32 $0xFFFFD800  }
0xf0: {  	[spmem:s3] =	stream.indirect.scatter.add.f32 [tilespmem:s23], [sflag:$0x5], $0x80, s22, s31, $0xb8;
	[tilespmem:$0x1EF50] =	vst v63  }
0xf1: {  	_ =	swait.ge [sflag:s2], $0x2800  }
0xf2: {  	[sflag:s2] =	ssyncset.done $0x0  }
0xf3: {  	[sflag:s2] =	ssyncadd.s32 $0xFFFFD800  }
0xf4: {  	_ =	swait.ge [sflag:s15], $0x500  }
0xf5: {  	[sflag:s15] =	ssyncset.done $0x0  }
0xf6: {  	[sflag:s15] =	ssyncadd.s32 $0xFFFFFB00  }
0xf7: {  	[spmem:s4] =	stream.indirect.scatter.add.f32 [tilespmem:s17], [sflag:$0x4], $0x10, s22, s31, $0xb8;
	[tilespmem:$0x1EF50] =	vst v63  }
0xf8: {  	_ =	swait.ge [sflag:s24], $0x2800  }
0xf9: {  	[sflag:s24] =	ssyncset.done $0x0  }
0xfa: {  	s26 =	simm.s32 $0x19A00;
	[sflag:s24] =	ssyncadd.s32 $0xFFFFD800  }
0xfb: {  	[spmem:s3] =	stream.indirect.scatter.add.f32 [tilespmem:s13], [sflag:$0x5], $0x80, s26, s31, $0xb8;
	[tilespmem:$0x1EF50] =	vst v63  }
0xfc: {  	_ =	swait.ge [sflag:s2], $0x2800  }
0xfd: {  	[sflag:s2] =	ssyncset.done $0x0  }
0xfe: {  	[sflag:s2] =	ssyncadd.s32 $0xFFFFD800  }
0xff: {  	_ =	swait.ge [sflag:s5], $0x500  }
0x100: {  	[sflag:s5] =	ssyncset.done $0x0  }
0x101: {  	[sflag:s5] =	ssyncadd.s32 $0xFFFFFB00  }
0x102: {  	[spmem:s4] =	stream.indirect.scatter.add.f32 [tilespmem:s17], [sflag:$0x3], $0x10, s26, s31, $0xb8;
	[tilespmem:$0x1EF50] =	vst v63  }
0x103: {  	_ =	swait.ge [sflag:s5], $0x500  }
0x104: {  	[sflag:s5] =	ssyncset.done $0x0  }
0x105: {  	[sflag:s5] =	ssyncadd.s32 $0xFFFFFB00  }
0x106: {  	_ =	swait.ge [sflag:s15], $0x500  }
0x107: {  	s28 =	sld [smem:$0x7FD]  }
0x108: {  	[sflag:s15] =	ssyncset.done $0x0  }
0x109: {  	s29 =	simm.s32 $0x0;
	[sflag:s15] =	ssyncadd.s32 $0xFFFFFB00  }
0x10a: {  	[tilespmem:s12], [sflag:$0x5] =	stream.linear.gather [hbm4b:s28+s29], $0x1360, $0x38;
	[tilespmem:$0x1EF50] =	vst v63  }
0x10b: {  	_ =	swait.ge [sflag:s2], $0x1360  }
0x10c: {  	[sflag:s2] =	ssyncset.done $0x0  }
0x10d: {  	s22 =	simm.s32 $0x17340;
	[sflag:s2] =	ssyncadd.s32 $0xFFFFECA0  }
0x10e: {  	[tilespmem:s23], [sflag:$0x2] =	stream.indirect.gather [hbm4b:s0+s31], $0x80, s22, s31, $0xb8;
	[tilespmem:$0x1EF50] =	vst v63  }
0x10f: {  	s26 =	simm.s32 $0x17390  }
0x110: {  	[tilespmem:s13], [sflag:$0x1] =	stream.indirect.gather [hbm4b:s0+s31], $0x80, s26, s31, $0xb8;
	[tilespmem:$0x1EF50] =	vst v63  }
0x111: {  	_ =	swait.ge [sflag:s25], $0x2800  }
0x112: {  	[sflag:s25] =	ssyncset.done $0x0  }
0x113: {  	[sflag:s25] =	ssyncadd.s32 $0xFFFFD800  }
0x114: {  	[spmem:s3] =	stream.indirect.scatter.add.f32 [tilespmem:s23], [sflag:$0x5], $0x80, s12, s31, $0xb8;
	[tilespmem:$0x1EF50] =	vst v63  }
0x115: {  	_ =	swait.ge [sflag:s2], $0x2800  }
0x116: {  	[sflag:s2] =	ssyncset.done $0x0  }
0x117: {  	[sflag:s2] =	ssyncadd.s32 $0xFFFFD800  }
0x118: {  	[spmem:s4] =	stream.indirect.scatter.add.f32 [tilespmem:s17], [sflag:$0x3], $0x10, s12, s31, $0xb8;
	[tilespmem:$0x1EF50] =	vst v63  }
0x119: {  	s28 =	simm.s32 $0x173E0  }
0x11a: {  	[tilespmem:s23], [sflag:$0x2] =	stream.indirect.gather [hbm4b:s0+s31], $0x80, s28, s31, $0xb8;
	[tilespmem:$0x1EF50] =	vst v63  }
0x11b: {  	_ =	swait.ge [sflag:s24], $0x2800  }
0x11c: {  	[sflag:s24] =	ssyncset.done $0x0  }
0x11d: {  	[sflag:s24] =	ssyncadd.s32 $0xFFFFD800  }
0x11e: {  	[spmem:s3] =	stream.indirect.scatter.add.f32 [tilespmem:s13], [sflag:$0x5], $0x80, s30, s31, $0xb8;
	[tilespmem:$0x1EF50] =	vst v63  }
0x11f: {  	_ =	swait.ge [sflag:s2], $0x2800  }
0x120: {  	[sflag:s2] =	ssyncset.done $0x0  }
0x121: {  	[sflag:s2] =	ssyncadd.s32 $0xFFFFD800  }
0x122: {  	[spmem:s4] =	stream.indirect.scatter.add.f32 [tilespmem:s17], [sflag:$0x4], $0x10, s30, s31, $0xb8;
	[tilespmem:$0x1EF50] =	vst v63  }
0x123: {  	s22 =	simm.s32 $0x17430  }
0x124: {  	[tilespmem:s13], [sflag:$0x1] =	stream.indirect.gather [hbm4b:s0+s31], $0x80, s22, s31, $0xb8;
	[tilespmem:$0x1EF50] =	vst v63  }
0x125: {  	_ =	swait.ge [sflag:s25], $0x2800  }
0x126: {  	[sflag:s25] =	ssyncset.done $0x0  }
0x127: {  	s26 =	simm.s32 $0x18740;
	[sflag:s25] =	ssyncadd.s32 $0xFFFFD800  }
0x128: {  	[spmem:s3] =	stream.indirect.scatter.add.f32 [tilespmem:s23], [sflag:$0x5], $0x80, s26, s31, $0xb8;
	[tilespmem:$0x1EF50] =	vst v63  }
0x129: {  	_ =	swait.ge [sflag:s2], $0x2800  }
0x12a: {  	[sflag:s2] =	ssyncset.done $0x0  }
0x12b: {  	[sflag:s2] =	ssyncadd.s32 $0xFFFFD800  }
0x12c: {  	_ =	swait.ge [sflag:s5], $0x500  }
0x12d: {  	[sflag:s5] =	ssyncset.done $0x0  }
0x12e: {  	[sflag:s5] =	ssyncadd.s32 $0xFFFFFB00  }
0x12f: {  	[spmem:s4] =	stream.indirect.scatter.add.f32 [tilespmem:s17], [sflag:$0x3], $0x10, s26, s31, $0xb8;
	[tilespmem:$0x1EF50] =	vst v63  }
0x130: {  	s28 =	simm.s32 $0x17480  }
0x131: {  	[tilespmem:s23], [sflag:$0x2] =	stream.indirect.gather [hbm4b:s0+s31], $0x80, s28, s31, $0xb8;
	[tilespmem:$0x1EF50] =	vst v63  }
0x132: {  	_ =	swait.ge [sflag:s24], $0x2800  }
0x133: {  	[sflag:s24] =	ssyncset.done $0x0  }
0x134: {  	s26 =	simm.s32 $0x18790;
	[sflag:s24] =	ssyncadd.s32 $0xFFFFD800  }
0x135: {  	[spmem:s3] =	stream.indirect.scatter.add.f32 [tilespmem:s13], [sflag:$0x5], $0x80, s26, s31, $0xb8;
	[tilespmem:$0x1EF50] =	vst v63  }
0x136: {  	_ =	swait.ge [sflag:s2], $0x2800  }
0x137: {  	[sflag:s2] =	ssyncset.done $0x0  }
0x138: {  	[sflag:s2] =	ssyncadd.s32 $0xFFFFD800  }
0x139: {  	_ =	swait.ge [sflag:s15], $0x500  }
0x13a: {  	[sflag:s15] =	ssyncset.done $0x0  }
0x13b: {  	s21 =	simm.s32 $0xFFFFBC80;
	s22 =	simm.s32 $0xFFFFEE80;
	[sflag:s15] =	ssyncadd.s32 $0xFFFFFB00  }
.LBB2_8:
0x13c: {  	[spmem:s4] =	stream.indirect.scatter.add.f32 [tilespmem:s17], [sflag:$0x4], $0x10, s26, s31, $0xb8;
	[tilespmem:$0x1EF50] =	vst v63  }
0x13d: {  	s28 =	sshra.s32 s21, $0x2;
	s21 =	sadd.s32 $0x280, s21;
	s26 =	sadd.s32 $0x18650, s22  }
0x13e: {  	[tilespmem:s13], [sflag:$0x1] =	stream.indirect.gather [hbm4b:s0+s31], $0x80, s26, s31, $0xb8;
	[tilespmem:$0x1EF50] =	vst v63  }
0x13f: {  	p1 =	sne.s32 s21, $0x0;
	_ =	swait.ge [sflag:s25], $0x2800  }
0x140: {  	[sflag:s25] =	ssyncset.done $0x0  }
0x141: {  	s26 =	sadd.s32 $0x19960, s22;
	[sflag:s25] =	ssyncadd.s32 $0xFFFFD800  }
0x142: {  	[spmem:s3] =	stream.indirect.scatter.add.f32 [tilespmem:s23], [sflag:$0x5], $0x80, s26, s31, $0xb8;
	[tilespmem:$0x1EF50] =	vst v63  }
0x143: {  	_ =	swait.ge [sflag:s2], $0x2800  }
0x144: {  	[sflag:s2] =	ssyncset.done $0x0  }
0x145: {  	[sflag:s2] =	ssyncadd.s32 $0xFFFFD800  }
0x146: {  	_ =	swait.ge [sflag:s5], $0x500  }
0x147: {  	[sflag:s5] =	ssyncset.done $0x0  }
0x148: {  	[sflag:s5] =	ssyncadd.s32 $0xFFFFFB00  }
0x149: {  	[spmem:s4] =	stream.indirect.scatter.add.f32 [tilespmem:s17], [sflag:$0x3], $0x10, s26, s31, $0xb8;
	[tilespmem:$0x1EF50] =	vst v63  }
0x14a: {  	s26 =	sadd.s32 $0x186A0, s22  }
0x14b: {  	[tilespmem:s23], [sflag:$0x2] =	stream.indirect.gather [hbm4b:s0+s31], $0x80, s26, s31, $0xb8;
	[tilespmem:$0x1EF50] =	vst v63  }
0x14c: {  	_ =	swait.ge [sflag:s24], $0x2800  }
0x14d: {  	[sflag:s24] =	ssyncset.done $0x0  }
0x14e: {  	s26 =	sadd.s32 $0x199B0, s22;
	s22 =	smov.u32 s28;
	[sflag:s24] =	ssyncadd.s32 $0xFFFFD800  }
0x14f: {  	[spmem:s3] =	stream.indirect.scatter.add.f32 [tilespmem:s13], [sflag:$0x5], $0x80, s26, s31, $0xb8;
	[tilespmem:$0x1EF50] =	vst v63  }
0x150: {  	_ =	swait.ge [sflag:s2], $0x2800  }
.Ltmp3:
0x151: {  	[sflag:s2] =	ssyncset.done $0x0;
	(pc) =	sbr.rel @p1 .LBB2_8-.Ltmp3, $4  }
0x152: {  	[sflag:s2] =	ssyncadd.s32 $0xFFFFD800  }
0x153: {  	_ =	swait.ge [sflag:s15], $0x500  }
0x154: {  	[sflag:s15] =	ssyncset.done $0x0  }
0x155: {  	[sflag:s15] =	ssyncadd.s32 $0xFFFFFB00  }
0x156: {  	[spmem:s4] =	stream.indirect.scatter.add.f32 [tilespmem:s17], [sflag:$0x4], $0x10, s26, s31, $0xb8;
	[tilespmem:$0x1EF50] =	vst v63  }
0x157: {  	s28 =	sadd.s32 $0x18650, s22  }
0x158: {  	[tilespmem:s13], [sflag:$0x1] =	stream.indirect.gather [hbm4b:s0+s31], $0x80, s28, s31, $0xb8;
	[tilespmem:$0x1EF50] =	vst v63  }
0x159: {  	_ =	swait.ge [sflag:s25], $0x2800  }
0x15a: {  	[sflag:s25] =	ssyncset.done $0x0  }
0x15b: {  	s28 =	sadd.s32 $0x19960, s22;
	[sflag:s25] =	ssyncadd.s32 $0xFFFFD800  }
0x15c: {  	[spmem:s3] =	stream.indirect.scatter.add.f32 [tilespmem:s23], [sflag:$0x5], $0x80, s28, s31, $0xb8;
	[tilespmem:$0x1EF50] =	vst v63  }
0x15d: {  	_ =	swait.ge [sflag:s2], $0x2800  }
0x15e: {  	[sflag:s2] =	ssyncset.done $0x0  }
0x15f: {  	[sflag:s2] =	ssyncadd.s32 $0xFFFFD800  }
0x160: {  	_ =	swait.ge [sflag:s5], $0x500  }
0x161: {  	[sflag:s5] =	ssyncset.done $0x0  }
0x162: {  	[sflag:s5] =	ssyncadd.s32 $0xFFFFFB00  }
0x163: {  	[spmem:s4] =	stream.indirect.scatter.add.f32 [tilespmem:s17], [sflag:$0x3], $0x10, s28, s31, $0xb8;
	[tilespmem:$0x1EF50] =	vst v63  }
0x164: {  	s28 =	sadd.s32 $0x186A0, s22  }
0x165: {  	[tilespmem:s23], [sflag:$0x2] =	stream.indirect.gather [hbm4b:s0+s31], $0x80, s28, s31, $0xb8;
	[tilespmem:$0x1EF50] =	vst v63  }
0x166: {  	_ =	swait.ge [sflag:s24], $0x2800  }
0x167: {  	[sflag:s24] =	ssyncset.done $0x0  }
0x168: {  	s28 =	sadd.s32 $0x199B0, s22;
	[sflag:s24] =	ssyncadd.s32 $0xFFFFD800  }
0x169: {  	[spmem:s3] =	stream.indirect.scatter.add.f32 [tilespmem:s13], [sflag:$0x5], $0x80, s28, s31, $0xb8;
	[tilespmem:$0x1EF50] =	vst v63  }
0x16a: {  	_ =	swait.ge [sflag:s2], $0x2800  }
0x16b: {  	[sflag:s2] =	ssyncset.done $0x0  }
0x16c: {  	[sflag:s2] =	ssyncadd.s32 $0xFFFFD800  }
0x16d: {  	_ =	swait.ge [sflag:s15], $0x500  }
0x16e: {  	[sflag:s15] =	ssyncset.done $0x0  }
0x16f: {  	s21 =	sshra.s32 s21, $0x2;
	[sflag:s15] =	ssyncadd.s32 $0xFFFFFB00  }
0x170: {  	[spmem:s4] =	stream.indirect.scatter.add.f32 [tilespmem:s17], [sflag:$0x4], $0x10, s28, s31, $0xb8;
	[tilespmem:$0x1EF50] =	vst v63  }
0x171: {  	s26 =	sadd.s32 $0x18650, s21  }
0x172: {  	[tilespmem:s13], [sflag:$0x1] =	stream.indirect.gather [hbm4b:s0+s31], $0x80, s26, s31, $0xb8;
	[tilespmem:$0x1EF50] =	vst v63  }
0x173: {  	_ =	swait.ge [sflag:s25], $0x2800  }
0x174: {  	[sflag:s25] =	ssyncset.done $0x0  }
0x175: {  	s28 =	sadd.s32 $0x19960, s21;
	[sflag:s25] =	ssyncadd.s32 $0xFFFFD800  }
0x176: {  	[spmem:s3] =	stream.indirect.scatter.add.f32 [tilespmem:s23], [sflag:$0x5], $0x80, s28, s31, $0xb8;
	[tilespmem:$0x1EF50] =	vst v63  }
0x177: {  	_ =	swait.ge [sflag:s2], $0x2800  }
0x178: {  	[sflag:s2] =	ssyncset.done $0x0  }
0x179: {  	[sflag:s2] =	ssyncadd.s32 $0xFFFFD800  }
0x17a: {  	_ =	swait.ge [sflag:s5], $0x500  }
0x17b: {  	[sflag:s5] =	ssyncset.done $0x0  }
0x17c: {  	[sflag:s5] =	ssyncadd.s32 $0xFFFFFB00  }
0x17d: {  	[spmem:s4] =	stream.indirect.scatter.add.f32 [tilespmem:s17], [sflag:$0x3], $0x10, s28, s31, $0xb8;
	[tilespmem:$0x1EF50] =	vst v63  }
0x17e: {  	_ =	swait.ge [sflag:s24], $0x2800  }
0x17f: {  	[sflag:s24] =	ssyncset.done $0x0  }
0x180: {  	s21 =	sadd.s32 $0x199B0, s21;
	[sflag:s24] =	ssyncadd.s32 $0xFFFFD800  }
0x181: {  	[spmem:s3] =	stream.indirect.scatter.add.f32 [tilespmem:s13], [sflag:$0x5], $0x80, s21, s31, $0xb8;
	[tilespmem:$0x1EF50] =	vst v63  }
0x182: {  	_ =	swait.ge [sflag:s2], $0x2800  }
0x183: {  	[sflag:s2] =	ssyncset.done $0x0  }
0x184: {  	[sflag:s2] =	ssyncadd.s32 $0xFFFFD800  }
0x185: {  	_ =	swait.ge [sflag:s15], $0x500  }
0x186: {  	[sflag:s15] =	ssyncset.done $0x0  }
0x187: {  	[sflag:s15] =	ssyncadd.s32 $0xFFFFFB00  }
0x188: {  	[spmem:s4] =	stream.indirect.scatter.add.f32 [tilespmem:s17], [sflag:$0x4], $0x10, s21, s31, $0xb8;
	[tilespmem:$0x1EF50] =	vst v63  }
0x189: {  	_ =	swait.ge [sflag:s5], $0x500  }
0x18a: {  	[sflag:s5] =	ssyncset.done $0x0  }
0x18b: {  	[sflag:s5] =	ssyncadd.s32 $0xFFFFFB00  }
0x18c: {  	_ =	swait.ge [sflag:s15], $0x500  }
0x18d: {  	[sflag:s15] =	ssyncset.done $0x0  }
0x18e: {  	[sflag:s15] =	ssyncadd.s32 $0xFFFFFB00  }
0x18f: {  	s22 =	stileid.u32;
	[bflag:$0x0] =	sbarrier.arrive $0xFFFF  }
0x190: {  	s21 =	sshll.u32 s22, $0x6;
	s26 =	rddreg [dreg:$0xa]  }
0x191: {  	s21 =	sor.u32 $0x1C05, s21;
	s28 =	rddreg [dreg:$0xd];
	s22 =	sshrl.u32 s26, $0x3  }
0x192: {  	[hbm:s28], [sflag:s21] =	dma.local [spmem:s22], $0x500  }
0x193: {  	_ =	swait.ge [sflag:s2], $0x500  }
0x194: {  	[sflag:s2] =	ssyncset.done $0x0;
	s26 =	rddreg [dreg:$0xe]  }
0x195: {  	s28 =	rddreg [dreg:$0x11];
	[sflag:s2] =	ssyncadd.s32 $0xFFFFFB00;
	s22 =	sshrl.u32 s26, $0x3  }
0x196: {  	[hbm:s28], [sflag:s21] =	dma.local [spmem:s22], $0xA0  }
0x197: {  	_ =	swait.ge [sflag:s2], $0xA0  }
0x198: {  	[sflag:s2] =	ssyncset.done $0x0;
	s26 =	rddreg [dreg:$0xf]  }
0x199: {  	s28 =	rddreg [dreg:$0x12];
	[sflag:s2] =	ssyncadd.s32 $0xFFFFFF60;
	s22 =	sshrl.u32 s26, $0x3  }
0x19a: {  	[hbm:s28], [sflag:s21] =	dma.local [spmem:s22], $0x500  }
0x19b: {  	_ =	swait.ge [sflag:s2], $0x500  }
0x19c: {  	[sflag:s2] =	ssyncset.done $0x0;
	s26 =	rddreg [dreg:$0x10]  }
0x19d: {  	s28 =	rddreg [dreg:$0x13];
	[sflag:s2] =	ssyncadd.s32 $0xFFFFFB00;
	s22 =	sshrl.u32 s26, $0x3  }
0x19e: {  	[hbm:s28], [sflag:s21] =	dma.local [spmem:s22], $0xA0  }
0x19f: {  	_ =	swait.ge [sflag:s2], $0xA0  }
0x1a0: {  	[sflag:s2] =	ssyncset.done $0x0;
	s26 =	rddreg [dreg:$0x14]  }
0x1a1: {  	s28 =	rddreg [dreg:$0x17];
	[sflag:s2] =	ssyncadd.s32 $0xFFFFFF60;
	s22 =	sshrl.u32 s26, $0x3  }
0x1a2: {  	[hbm:s28], [sflag:s21] =	dma.local [spmem:s22], $0x500  }
0x1a3: {  	_ =	swait.ge [sflag:s2], $0x500  }
0x1a4: {  	[sflag:s2] =	ssyncset.done $0x0;
	s26 =	rddreg [dreg:$0x15]  }
0x1a5: {  	s28 =	rddreg [dreg:$0x18];
	[sflag:s2] =	ssyncadd.s32 $0xFFFFFB00;
	s22 =	sshrl.u32 s26, $0x3  }
0x1a6: {  	[hbm:s28], [sflag:s21] =	dma.local [spmem:s22], $0xA0  }
0x1a7: {  	_ =	swait.ge [sflag:s2], $0xA0  }
0x1a8: {  	[sflag:s2] =	ssyncset.done $0x0;
	s26 =	rddreg [dreg:$0x16]  }
0x1a9: {  	s28 =	rddreg [dreg:$0x19];
	[sflag:s2] =	ssyncadd.s32 $0xFFFFFF60;
	s22 =	sshrl.u32 s26, $0x3  }
0x1aa: {  	[hbm:s28], [sflag:s21] =	dma.local [spmem:s22], $0x500  }
0x1ab: {  	_ =	swait.ge [sflag:s2], $0x500  }
0x1ac: {  	[sflag:s2] =	ssyncset.done $0x0  }
0x1ad: {  	s26 =	sshrl.u32 s1, $0x3;
	s28 =	rddreg [dreg:$0x1a];
	[sflag:s2] =	ssyncadd.s32 $0xFFFFFB00  }
0x1ae: {  	[hbm:s28], [sflag:s21] =	dma.local [spmem:s26], $0xA0  }
0x1af: {  	_ =	swait.ge [sflag:s2], $0xA0  }
0x1b0: {  	[sflag:s2] =	ssyncset.done $0x0  }
0x1b1: {  	s26 =	sshrl.u32 s8, $0x3;
	s28 =	rddreg [dreg:$0x1b];
	[sflag:s2] =	ssyncadd.s32 $0xFFFFFF60  }
0x1b2: {  	[hbm:s28], [sflag:s21] =	dma.local [spmem:s26], $0x500  }
0x1b3: {  	_ =	swait.ge [sflag:s2], $0x500  }
0x1b4: {  	[sflag:s2] =	ssyncset.done $0x0  }
0x1b5: {  	s26 =	sshrl.u32 s9, $0x3;
	s28 =	rddreg [dreg:$0x1c];
	[sflag:s2] =	ssyncadd.s32 $0xFFFFFB00  }
0x1b6: {  	[hbm:s28], [sflag:s21] =	dma.local [spmem:s26], $0xA0  }
0x1b7: {  	_ =	swait.ge [sflag:s2], $0xA0  }
0x1b8: {  	[sflag:s2] =	ssyncset.done $0x0  }
0x1b9: {  	s22 =	sshrl.u32 @!p0 s18, $0x3;
	s26 =	rddreg [dreg:$0x1d];
	[sflag:s2] =	ssyncadd.s32 $0xFFFFFF60  }
0x1ba: {  	[hbm:s26], [sflag:s21] =	dma.local @!p0 [spmem:s22], $0x500  }
0x1bb: {  	s22 =	simm.s32 @!p0 $0x5  }
0x1bc: {  	_ =	swait.ge @!p0 [sflag:s22], $0x500  }
0x1bd: {  	[sflag:s22] =	ssyncset.done @!p0 $0x0  }
0x1be: {  	s26 =	sshrl.u32 @!p0 s19, $0x3;
	s28 =	rddreg [dreg:$0x1e];
	[sflag:s22] =	ssyncadd.s32 @!p0 $0xFFFFFB00  }
0x1bf: {  	[hbm:s28], [sflag:s21] =	dma.local @!p0 [spmem:s26], $0xA0  }
0x1c0: {  	s26 =	sshll.u32 @!p0 s10, $0x7  }
0x1c1: {  	_ =	swait.ge @!p0 [sflag:s22], $0xA0;
	s28 =	sadd.s32 @!p0 s11, s26  }
0x1c2: {  	s26 =	sadd.s32 @!p0 s26, s3;
	[sflag:s22] =	ssyncset.done @!p0 $0x0;
	s28 =	sshrl.u32 @!p0 s28, $0x3  }
0x1c3: {  	s26 =	sshrl.u32 @!p0 s26, $0x3;
	[sflag:s22] =	ssyncadd.s32 @!p0 $0xFFFFFF60;
	s28 =	sadd.s32 @!p0 s6, s28  }
0x1c4: {  	[hbm:s28], [sflag:s21] =	dma.local @!p0 [spmem:s26], $0x500  }
0x1c5: {  	s26 =	sshll.u32 @!p0 s10, $0x4  }
0x1c6: {  	_ =	swait.ge @!p0 [sflag:s22], $0x500;
	s28 =	sadd.s32 @!p0 s16, s26  }
0x1c7: {  	s26 =	sadd.s32 @!p0 s26, s4;
	[sflag:s22] =	ssyncset.done @!p0 $0x0;
	s28 =	sshrl.u32 @!p0 s28, $0x3  }
0x1c8: {  	s26 =	sshrl.u32 @!p0 s26, $0x3;
	[sflag:s22] =	ssyncadd.s32 @!p0 $0xFFFFFB00;
	s28 =	sadd.s32 @!p0 s7, s28  }
0x1c9: {  	[hbm:s28], [sflag:s21] =	dma.local @!p0 [spmem:s26], $0xA0  }
0x1ca: {  	s26 =	sshll.u32 @!p0 s14, $0x7  }
0x1cb: {  	_ =	swait.ge @!p0 [sflag:s22], $0xA0;
	s28 =	sadd.s32 @!p0 s11, s26  }
0x1cc: {  	s26 =	sadd.s32 @!p0 s26, s3;
	[sflag:s22] =	ssyncset.done @!p0 $0x0;
	s28 =	sshrl.u32 @!p0 s28, $0x3  }
0x1cd: {  	s26 =	sshrl.u32 @!p0 s26, $0x3;
	[sflag:s22] =	ssyncadd.s32 @!p0 $0xFFFFFF60;
	s28 =	sadd.s32 @!p0 s6, s28  }
0x1ce: {  	[hbm:s28], [sflag:s21] =	dma.local @!p0 [spmem:s26], $0x500  }
0x1cf: {  	s26 =	sshll.u32 @!p0 s14, $0x4  }
0x1d0: {  	_ =	swait.ge @!p0 [sflag:s22], $0x500;
	s28 =	sadd.s32 @!p0 s16, s26  }
0x1d1: {  	s26 =	sadd.s32 @!p0 s26, s4;
	[sflag:s22] =	ssyncset.done @!p0 $0x0;
	s28 =	sshrl.u32 @!p0 s28, $0x3  }
0x1d2: {  	s26 =	sshrl.u32 @!p0 s26, $0x3;
	[sflag:s22] =	ssyncadd.s32 @!p0 $0xFFFFFB00;
	s28 =	sadd.s32 @!p0 s7, s28  }
0x1d3: {  	[hbm:s28], [sflag:s21] =	dma.local @!p0 [spmem:s26], $0xA0  }
0x1d4: {  	_ =	swait.ge @!p0 [sflag:s22], $0xA0  }
0x1d5: {  	s20 =	sadd.s32 $0x1, s20;
	s28 =	rddreg [dreg:$0x1f]  }
0x1d6: {  	p1 =	sne.s32 s20, s28  }
.Ltmp4:
0x1d7: {  	_ = 	snop;
	(pc) =	sbr.rel @p1 .LBB2_1-.Ltmp4, $3  }
0x1d8: {  	_ =	sdelay $0x1  }
0x1d9: {  	[sflag:s22] =	ssyncset.done @!p0 $0x0  }
0x1da: {  	[sflag:s22] =	ssyncadd.s32 @!p0 $0xFFFFFF60  }
0x1db: {  	_ =	sfence.sel $0x180000  }
0x1dc: {  	[bflag:$0x0] =	sbarrier.arrive $0xFFFF  }
0x1dd: {  	_ =	strace $0x90000047  }
0x1de: {  	s0 =	stileid.u32;
	[bflag:$0x2] =	sbarrier.arrive $0xFFFF  }
0x1df: {  	p0 =	sne.s32 s0, $0x0;
	s0 =	rddreg [dreg:$0x5]  }
0x1e0: {  	s0 =	sadd.s32 @!p0 $0x100000, s0  }
0x1e1: {  	[sflag:s0] =	ssyncadd.tile.s32 @!p0 $0x1;
	_ =	shalt  }
.Lfunc_end2:
_tile_overlayer_lowered:
.L_overlay_start_2:
0x1e2: {  	(tag) =	ssettag $0x2  }
0x1e3: {  	s0 =	rddreg [dreg:$0x0];
	s2 =	stileid.u32  }
0x1e4: {  	s1 =	rddreg [dreg:$0x1];
	p0 =	sne.s32 s2, $0x0  }
0x1e5: {  	s3 =	rddreg [dreg:$0x2];
	[bflag:$0x3] =	sbarrier.arrive $0xFFFF;
	s2 =	simm.s32 @!p0 $0x1C05  }
0x1e6: {  	[timem:s3], [sflag:s2] =	dma.local @!p0 [hbm:s0], s1  }
0x1e7: {  	s0 =	simm.s32 @!p0 $0x5  }
0x1e8: {  	_ =	swait.ge @!p0 [sflag:s0], s1  }
0x1e9: {  	s1 =	ssub.s32 @!p0 $0x0, s1;
	[sflag:s0] =	ssyncset.done @!p0 $0x0  }
0x1ea: {  	[sflag:s0] =	ssyncadd.s32 @!p0 s1  }
0x1eb: {  	[bflag:$0x3] =	sbarrier.arrive $0xFFFF  }
0x1ec: {  	_ =	shalt  }

</sc_bundles>
